<compile_context>
chip_gen: v7x
topology: tpu7x:2x2x1
jax: 0.10.2.dev20260603
libtpu: 0.0.44.dev20260713+nightly
codegen_flags: <defaults>
</compile_context>

<pallas_src>
import functools

import jax
import jax.numpy as jnp
from jax import lax
from jax.experimental import pallas as pl
from jax.experimental.pallas import tpu as pltpu
from jax.experimental.pallas import tpu_sc as plsc

N_NODES = 10000
N_EDGES = 320000
D = 128

NC = 2
NS = 16
NW = NC * NS

CHUNK = 128
EDGES_MAIN = 9984
FULL_CHUNKS = EDGES_MAIN // CHUNK
TAIL_CHUNKS = (N_EDGES - NW * EDGES_MAIN) // CHUNK
NBUF = 3
ROWS_MAIN = 624
ROWS_TAIL = N_NODES - NS * ROWS_MAIN


def _sc_segment_sum(edge_index, edge_attr, zeros):
    mesh = plsc.VectorSubcoreMesh(core_axis_name="c", subcore_axis_name="s")

    @functools.partial(
        pl.kernel,
        mesh=mesh,
        out_type=jax.ShapeDtypeStruct((NC, N_NODES, D), jnp.float32),
        scratch_types=[
            pltpu.VMEM_SHARED((N_NODES, D), jnp.float32),
            pltpu.VMEM((NBUF, CHUNK, D), jnp.float32),
            pltpu.VMEM((NBUF, 2, CHUNK), jnp.int32),
            *([pltpu.SemaphoreType.DMA] * NBUF),
        ],
    )
    def seg_sum(ei_hbm, ea_hbm, z_hbm, out_hbm, acc, rows, idx, *sems):
        c = lax.axis_index("c")
        s = lax.axis_index("s")
        w = c * NS + s
        tile_base = w * EDGES_MAIN

        r0 = s * ROWS_MAIN
        pltpu.sync_copy(z_hbm.at[pl.ds(r0, ROWS_MAIN)],
                        acc.at[pl.ds(r0, ROWS_MAIN)])

        @pl.when(s == NS - 1)
        def _zero_tail():
            pltpu.sync_copy(z_hbm.at[pl.ds(NS * ROWS_MAIN, ROWS_TAIL)],
                            acc.at[pl.ds(NS * ROWS_MAIN, ROWS_TAIL)])

        plsc.subcore_barrier()

        def rows_copy(off, b):
            return pltpu.make_async_copy(
                ea_hbm.at[pl.ds(off, CHUNK)], rows.at[b], sems[b])

        def idx_copy(off, b):
            return pltpu.make_async_copy(
                ei_hbm.at[pl.ds(0, 2), pl.ds(off, CHUNK)], idx.at[b], sems[b])

        def start(off, b):
            rows_copy(off, b).start()
            idx_copy(off, b).start()

        def drain_and_scatter(off, b):
            rows_copy(off, b).wait()
            idx_copy(off, b).wait()
            pltpu.sync_copy(rows.at[b], acc.at[idx.at[b, 1]], add=True)

        for b in range(NBUF):
            start(tile_base + b * CHUNK, b)

        def body(g, carry):
            for b in range(NBUF):
                t = g * NBUF + b
                off = tile_base + t * CHUNK
                drain_and_scatter(off, b)
                start(off + NBUF * CHUNK, b)
            return carry

        groups = FULL_CHUNKS // NBUF
        lax.fori_loop(0, groups - 1, body, 0)
        for b in range(NBUF):
            drain_and_scatter(tile_base + ((groups - 1) * NBUF + b) * CHUNK, b)

        @pl.when(w < TAIL_CHUNKS)
        def _tail_chunk():
            off = NW * EDGES_MAIN + w * CHUNK
            start(off, 0)
            drain_and_scatter(off, 0)

        plsc.subcore_barrier()
        pltpu.sync_copy(acc.at[pl.ds(r0, ROWS_MAIN)],
                        out_hbm.at[c, pl.ds(r0, ROWS_MAIN)])

        @pl.when(s == NS - 1)
        def _write_tail():
            pltpu.sync_copy(acc.at[pl.ds(NS * ROWS_MAIN, ROWS_TAIL)],
                            out_hbm.at[c, pl.ds(NS * ROWS_MAIN, ROWS_TAIL)])

    return seg_sum(edge_index, edge_attr, zeros)


ROW_BLK = 1000


def _tc_pre_body(x_ref, e_ref, w1_ref, b1_ref, o_ref):
    o_ref[...] = (x_ref[...] @ w1_ref[0:D, :]
                  + e_ref[...] @ w1_ref[D:2 * D, :]
                  + b1_ref[...])


def _tc_pre(x, encoded_x, W1, b1):
    n = x.shape[0]
    row_spec = pl.BlockSpec((ROW_BLK, D), lambda i: (i, 0))
    full = lambda shape: pl.BlockSpec(shape, lambda i: (0,) * len(shape))
    return pl.pallas_call(
        _tc_pre_body,
        grid=(n // ROW_BLK,),
        in_specs=[row_spec, row_spec, full((3 * D, D)), full((1, D))],
        out_specs=row_spec,
        out_shape=jax.ShapeDtypeStruct((n, D), jnp.float32),
    )(x, encoded_x, W1, b1.reshape(1, D))


def _tc_post_body(pre_ref, p_ref, w1_ref, w2_ref, b2_ref, o_ref):
    recv = p_ref[0] + p_ref[1]
    h = jnp.maximum(pre_ref[...] + recv @ w1_ref[2 * D:3 * D, :], 0.0)
    o = h @ w2_ref[...] + b2_ref[...]
    o_ref[...] = jnp.maximum(o, 0.0)


def _tc_post(pre, partials, W1, W2, b2):
    n = pre.shape[0]
    row_spec = pl.BlockSpec((ROW_BLK, D), lambda i: (i, 0))
    full = lambda shape: pl.BlockSpec(shape, lambda i: (0,) * len(shape))
    p_spec = pl.BlockSpec((NC, ROW_BLK, D), lambda i: (0, i, 0))
    return pl.pallas_call(
        _tc_post_body,
        grid=(n // ROW_BLK,),
        in_specs=[row_spec, p_spec, full((3 * D, D)), full((D, D)), full((1, D))],
        out_specs=row_spec,
        out_shape=jax.ShapeDtypeStruct((n, D), jnp.float32),
    )(pre, partials, W1, W2, b2.reshape(1, D))


def kernel(x, edge_index, edge_attr, encoded_x, batch, W1, b1, W2, b2):
    edge_index = edge_index.astype(jnp.int32)
    zeros = jnp.zeros((N_NODES, D), jnp.float32)
    partials = _sc_segment_sum(edge_index, edge_attr, zeros)
    pre = _tc_pre(x, encoded_x, W1, b1)
    return _tc_post(pre, partials, W1, W2, b2)

# --- scband reference (transcript-rebuilt; emitter-appended) ---
"""Pipeline reference for scband-node-update-24412594111263 (READ-ONLY COPY).

The authoritative reference and input builder live on the scoring server;
editing this copy changes nothing except your own understanding.
"""

import jax, jax.numpy as jnp
import numpy as np

N_NODES = 10000
N_EDGES = 320000
D = 128


def setup_inputs(seed: int = 0) -> dict:
    key = jax.random.key(seed)
    k1, k2, k3, k4, k5, k6, k7, k8 = jax.random.split(key, 8)
    x = jax.random.normal(k1, (N_NODES, D), dtype=jnp.float32)
    edge_index = jax.random.randint(k2, (2, N_EDGES), 0, N_NODES, dtype=jnp.int64)
    edge_attr = jax.random.normal(k3, (N_EDGES, D), dtype=jnp.float32)
    encoded_x = jax.random.normal(k4, (N_NODES, D), dtype=jnp.float32)
    batch = jnp.zeros((N_NODES,), dtype=jnp.int64)
    # MLP params: fc1 (3D -> D), fc2 (D -> D); stored as [in, out] so y = x @ W + b
    s1 = 1.0 / np.sqrt(3 * D)
    s2 = 1.0 / np.sqrt(D)
    W1 = jax.random.uniform(k5, (3 * D, D), minval=-s1, maxval=s1, dtype=jnp.float32)
    b1 = jax.random.uniform(k6, (D,), minval=-s1, maxval=s1, dtype=jnp.float32)
    W2 = jax.random.uniform(k7, (D, D), minval=-s2, maxval=s2, dtype=jnp.float32)
    b2 = jax.random.uniform(k8, (D,), minval=-s2, maxval=s2, dtype=jnp.float32)
    return {"x": x, "edge_index": edge_index, "edge_attr": edge_attr,
            "encoded_x": encoded_x, "batch": batch,
            "W1": W1, "b1": b1, "W2": W2, "b2": b2}


def reference(x, edge_index, edge_attr, encoded_x, batch, W1, b1, W2, b2):
    col = edge_index[1]
    # scatter-add edge messages to destination nodes
    recv = jax.ops.segment_sum(edge_attr, col, num_segments=x.shape[0])
    out = jnp.concatenate([x, encoded_x, recv], axis=1)
    h = jax.nn.relu(out @ W1 + b1)
    h = jax.nn.relu(h @ W2 + b2)
    return h

if __name__ == "__main__":
    import jax
    _d = setup_inputs()
    print(jax.jit(kernel)(*tuple(_d.values())))

</pallas_src>

<mosaic_0001>
#map = affine_map<(d0, d1) -> (0, 0)>
#map1 = affine_map<(d0, d1) -> (0, 0, 0)>
module attributes {stable_mosaic.version = 14 : i64} {
  func.func @seg_sum(%arg0: i32, %arg1: i32, %arg2: memref<2x320000xi32, #tpu.memory_space<hbm>>, %arg3: memref<320000x128xf32, #tpu.memory_space<hbm>>, %arg4: memref<10000x128xf32, #tpu.memory_space<hbm>>, %arg5: memref<2x10000x128xf32, #tpu.memory_space<hbm>>, %arg6: memref<10000x128xf32, #tpu.memory_space<vmem_shared>>, %arg7: memref<3x128x128xf32, #tpu.memory_space<vmem>>, %arg8: memref<3x2x128xi32, #tpu.memory_space<vmem>>, %arg9: memref<!tpu.dma_semaphore, #tpu.memory_space<semaphore_mem>>, %arg10: memref<!tpu.dma_semaphore, #tpu.memory_space<semaphore_mem>>, %arg11: memref<!tpu.dma_semaphore, #tpu.memory_space<semaphore_mem>>) attributes {dimension_semantics = [#tpu.dimension_semantics<core_parallel>, #tpu.dimension_semantics<subcore_parallel>], iteration_bounds = array<i64: 2, 16>, scalar_prefetch = 0 : i64, scratch_operands = 6 : i64, tpu.core_type = #tpu.core_type<sc_vector_subcore>, window_params = [{transform_indices = #map}, {transform_indices = #map}, {transform_indices = #map}, {transform_indices = #map1}]} {
    %mul3A = arith.constant 16 : i32
    %mul3A_0 = arith.muli %arg0, %mul3A : i32
    %add3A = arith.addi %mul3A_0, %arg1 : i32
    %mul3A_1 = arith.constant 9984 : i32
    %mul3A_2 = arith.muli %add3A, %mul3A_1 : i32
    %mul3A_3 = arith.constant 624 : i32
    %mul3A_4 = arith.muli %arg1, %mul3A_3 : i32
    "tpu.region"() ({
      %run_scoped3A_196 = tpu.sem_alloc : memref<!tpu.dma_semaphore, #tpu.memory_space<semaphore_mem>>
      %dma_start3A_197 = arith.constant 0 : i32
      %dma_start3A_198 = tpu.memref_slice %arg6[%mul3A_4, %dma_start3A_197] : memref<10000x128xf32, #tpu.memory_space<vmem_shared>> -> memref<624x128xf32, #tpu.memory_space<vmem_shared>>
      %dma_start3A_199 = arith.constant 0 : i32
      %dma_start3A_200 = tpu.memref_slice %arg4[%mul3A_4, %dma_start3A_199] : memref<10000x128xf32, #tpu.memory_space<hbm>> -> memref<624x128xf32, #tpu.memory_space<hbm>>
      tpu.enqueue_dma source(%dma_start3A_200 : memref<624x128xf32, #tpu.memory_space<hbm>>) target(%dma_start3A_198 : memref<624x128xf32, #tpu.memory_space<vmem_shared>>) target_semaphore(%run_scoped3A_196 : memref<!tpu.dma_semaphore, #tpu.memory_space<semaphore_mem>>)
      %dma_wait3A_201 = arith.constant 0 : i32
      %dma_wait3A_202 = tpu.memref_slice %arg6[%mul3A_4, %dma_wait3A_201] : memref<10000x128xf32, #tpu.memory_space<vmem_shared>> -> memref<624x128xf32, #tpu.memory_space<vmem_shared>>
      %dma_wait3A_203 = arith.constant 0 : i32
      %dma_wait3A_204 = tpu.memref_slice %arg4[%mul3A_4, %dma_wait3A_203] : memref<10000x128xf32, #tpu.memory_space<hbm>> -> memref<624x128xf32, #tpu.memory_space<hbm>>
      tpu.wait_dma2 semaphore(%run_scoped3A_196 : memref<!tpu.dma_semaphore, #tpu.memory_space<semaphore_mem>>) src(%dma_wait3A_204 : memref<624x128xf32, #tpu.memory_space<hbm>>) dst(%dma_wait3A_202 : memref<624x128xf32, #tpu.memory_space<vmem_shared>>)
      tpu.yield
    }) : () -> ()
    %eq3A = arith.constant 15 : i32
    %eq3A_5 = arith.cmpi eq, %arg1, %eq3A : i32
    %convert_element_type3A = arith.extui %eq3A_5 : i1 to i32
    %cond3A = arith.constant 0 : i32
    %cond3A_6 = arith.cmpi ne, %convert_element_type3A, %cond3A : i32
    scf.if %cond3A_6 {
      "tpu.region"() ({
        %run_scoped3A_196 = tpu.sem_alloc : memref<!tpu.dma_semaphore, #tpu.memory_space<semaphore_mem>>
        %dma_start3A_197 = arith.constant 9984 : i32
        %dma_start3A_198 = arith.constant 0 : i32
        %dma_start3A_199 = tpu.memref_slice %arg6[%dma_start3A_197, %dma_start3A_198] : memref<10000x128xf32, #tpu.memory_space<vmem_shared>> -> memref<16x128xf32, #tpu.memory_space<vmem_shared>>
        %dma_start3A_200 = arith.constant 9984 : i32
        %dma_start3A_201 = arith.constant 0 : i32
        %dma_start3A_202 = tpu.memref_slice %arg4[%dma_start3A_200, %dma_start3A_201] : memref<10000x128xf32, #tpu.memory_space<hbm>> -> memref<16x128xf32, #tpu.memory_space<hbm>>
        tpu.enqueue_dma source(%dma_start3A_202 : memref<16x128xf32, #tpu.memory_space<hbm>>) target(%dma_start3A_199 : memref<16x128xf32, #tpu.memory_space<vmem_shared>>) target_semaphore(%run_scoped3A_196 : memref<!tpu.dma_semaphore, #tpu.memory_space<semaphore_mem>>)
        %dma_wait3A_203 = arith.constant 9984 : i32
        %dma_wait3A_204 = arith.constant 0 : i32
        %dma_wait3A_205 = tpu.memref_slice %arg6[%dma_wait3A_203, %dma_wait3A_204] : memref<10000x128xf32, #tpu.memory_space<vmem_shared>> -> memref<16x128xf32, #tpu.memory_space<vmem_shared>>
        %dma_wait3A_206 = arith.constant 9984 : i32
        %dma_wait3A_207 = arith.constant 0 : i32
        %dma_wait3A_208 = tpu.memref_slice %arg4[%dma_wait3A_206, %dma_wait3A_207] : memref<10000x128xf32, #tpu.memory_space<hbm>> -> memref<16x128xf32, #tpu.memory_space<hbm>>
        tpu.wait_dma2 semaphore(%run_scoped3A_196 : memref<!tpu.dma_semaphore, #tpu.memory_space<semaphore_mem>>) src(%dma_wait3A_208 : memref<16x128xf32, #tpu.memory_space<hbm>>) dst(%dma_wait3A_205 : memref<16x128xf32, #tpu.memory_space<vmem_shared>>)
        tpu.yield
      }) : () -> ()
    } else {
    }
    %barrier3A = arith.constant 0 : index
    tpu.barrier barrier_id(%barrier3A)
    %add3A_7 = arith.constant 0 : i32
    %add3A_8 = arith.addi %mul3A_2, %add3A_7 : i32
    %dma_start3A = arith.constant 0 : i32
    %dma_start3A_9 = arith.constant 0 : i32
    %dma_start3A_10 = arith.constant 0 : i32
    %dma_start3A_11 = tpu.memref_slice %arg7[%dma_start3A, %dma_start3A_9, %dma_start3A_10] : memref<3x128x128xf32, #tpu.memory_space<vmem>> -> memref<1x128x128xf32, #tpu.memory_space<vmem>>
    %dma_start3A_12 = tpu.memref_squeeze %dma_start3A_11 : memref<1x128x128xf32, #tpu.memory_space<vmem>> -> memref<128x128xf32, #tpu.memory_space<vmem>>
    %dma_start3A_13 = arith.constant 0 : i32
    %dma_start3A_14 = tpu.memref_slice %arg3[%add3A_8, %dma_start3A_13] : memref<320000x128xf32, #tpu.memory_space<hbm>> -> memref<128x128xf32, #tpu.memory_space<hbm>>
    %dma_start3A_15 = arith.constant 0 : i32
    %dma_start3A_16 = arith.constant 0 : i32
    %dma_start3A_17 = tpu.memref_slice %arg7[%dma_start3A, %dma_start3A_15, %dma_start3A_16] : memref<3x128x128xf32, #tpu.memory_space<vmem>> -> memref<1x128x128xf32, #tpu.memory_space<vmem>>
    %dma_start3A_18 = tpu.memref_squeeze %dma_start3A_17 : memref<1x128x128xf32, #tpu.memory_space<vmem>> -> memref<128x128xf32, #tpu.memory_space<vmem>>
    %dma_start3A_19 = arith.constant 0 : i32
    %dma_start3A_20 = tpu.memref_slice %arg3[%add3A_8, %dma_start3A_19] : memref<320000x128xf32, #tpu.memory_space<hbm>> -> memref<128x128xf32, #tpu.memory_space<hbm>>
    tpu.enqueue_dma source(%dma_start3A_20 : memref<128x128xf32, #tpu.memory_space<hbm>>) target(%dma_start3A_18 : memref<128x128xf32, #tpu.memory_space<vmem>>) target_semaphore(%arg9 : memref<!tpu.dma_semaphore, #tpu.memory_space<semaphore_mem>>)
    %dma_start3A_21 = arith.constant 0 : i32
    %dma_start3A_22 = arith.constant 0 : i32
    %dma_start3A_23 = arith.constant 0 : i32
    %dma_start3A_24 = tpu.memref_slice %arg8[%dma_start3A_21, %dma_start3A_22, %dma_start3A_23] : memref<3x2x128xi32, #tpu.memory_space<vmem>> -> memref<1x2x128xi32, #tpu.memory_space<vmem>>
    %dma_start3A_25 = tpu.memref_squeeze %dma_start3A_24 : memref<1x2x128xi32, #tpu.memory_space<vmem>> -> memref<2x128xi32, #tpu.memory_space<vmem>>
    %dma_start3A_26 = arith.constant 0 : i32
    %dma_start3A_27 = tpu.memref_slice %arg2[%dma_start3A_26, %add3A_8] : memref<2x320000xi32, #tpu.memory_space<hbm>> -> memref<2x128xi32, #tpu.memory_space<hbm>>
    %dma_start3A_28 = arith.constant 0 : i32
    %dma_start3A_29 = arith.constant 0 : i32
    %dma_start3A_30 = tpu.memref_slice %arg8[%dma_start3A_21, %dma_start3A_28, %dma_start3A_29] : memref<3x2x128xi32, #tpu.memory_space<vmem>> -> memref<1x2x128xi32, #tpu.memory_space<vmem>>
    %dma_start3A_31 = tpu.memref_squeeze %dma_start3A_30 : memref<1x2x128xi32, #tpu.memory_space<vmem>> -> memref<2x128xi32, #tpu.memory_space<vmem>>
    %dma_start3A_32 = arith.constant 0 : i32
    %dma_start3A_33 = tpu.memref_slice %arg2[%dma_start3A_32, %add3A_8] : memref<2x320000xi32, #tpu.memory_space<hbm>> -> memref<2x128xi32, #tpu.memory_space<hbm>>
    tpu.enqueue_dma source(%dma_start3A_33 : memref<2x128xi32, #tpu.memory_space<hbm>>) target(%dma_start3A_31 : memref<2x128xi32, #tpu.memory_space<vmem>>) target_semaphore(%arg9 : memref<!tpu.dma_semaphore, #tpu.memory_space<semaphore_mem>>)
    %add3A_34 = arith.constant 128 : i32
    %add3A_35 = arith.addi %mul3A_2, %add3A_34 : i32
    %dma_start3A_36 = arith.constant 1 : i32
    %dma_start3A_37 = arith.constant 0 : i32
    %dma_start3A_38 = arith.constant 0 : i32
    %dma_start3A_39 = tpu.memref_slice %arg7[%dma_start3A_36, %dma_start3A_37, %dma_start3A_38] : memref<3x128x128xf32, #tpu.memory_space<vmem>> -> memref<1x128x128xf32, #tpu.memory_space<vmem>>
    %dma_start3A_40 = tpu.memref_squeeze %dma_start3A_39 : memref<1x128x128xf32, #tpu.memory_space<vmem>> -> memref<128x128xf32, #tpu.memory_space<vmem>>
    %dma_start3A_41 = arith.constant 0 : i32
    %dma_start3A_42 = tpu.memref_slice %arg3[%add3A_35, %dma_start3A_41] : memref<320000x128xf32, #tpu.memory_space<hbm>> -> memref<128x128xf32, #tpu.memory_space<hbm>>
    %dma_start3A_43 = arith.constant 0 : i32
    %dma_start3A_44 = arith.constant 0 : i32
    %dma_start3A_45 = tpu.memref_slice %arg7[%dma_start3A_36, %dma_start3A_43, %dma_start3A_44] : memref<3x128x128xf32, #tpu.memory_space<vmem>> -> memref<1x128x128xf32, #tpu.memory_space<vmem>>
    %dma_start3A_46 = tpu.memref_squeeze %dma_start3A_45 : memref<1x128x128xf32, #tpu.memory_space<vmem>> -> memref<128x128xf32, #tpu.memory_space<vmem>>
    %dma_start3A_47 = arith.constant 0 : i32
    %dma_start3A_48 = tpu.memref_slice %arg3[%add3A_35, %dma_start3A_47] : memref<320000x128xf32, #tpu.memory_space<hbm>> -> memref<128x128xf32, #tpu.memory_space<hbm>>
    tpu.enqueue_dma source(%dma_start3A_48 : memref<128x128xf32, #tpu.memory_space<hbm>>) target(%dma_start3A_46 : memref<128x128xf32, #tpu.memory_space<vmem>>) target_semaphore(%arg10 : memref<!tpu.dma_semaphore, #tpu.memory_space<semaphore_mem>>)
    %dma_start3A_49 = arith.constant 1 : i32
    %dma_start3A_50 = arith.constant 0 : i32
    %dma_start3A_51 = arith.constant 0 : i32
    %dma_start3A_52 = tpu.memref_slice %arg8[%dma_start3A_49, %dma_start3A_50, %dma_start3A_51] : memref<3x2x128xi32, #tpu.memory_space<vmem>> -> memref<1x2x128xi32, #tpu.memory_space<vmem>>
    %dma_start3A_53 = tpu.memref_squeeze %dma_start3A_52 : memref<1x2x128xi32, #tpu.memory_space<vmem>> -> memref<2x128xi32, #tpu.memory_space<vmem>>
    %dma_start3A_54 = arith.constant 0 : i32
    %dma_start3A_55 = tpu.memref_slice %arg2[%dma_start3A_54, %add3A_35] : memref<2x320000xi32, #tpu.memory_space<hbm>> -> memref<2x128xi32, #tpu.memory_space<hbm>>
    %dma_start3A_56 = arith.constant 0 : i32
    %dma_start3A_57 = arith.constant 0 : i32
    %dma_start3A_58 = tpu.memref_slice %arg8[%dma_start3A_49, %dma_start3A_56, %dma_start3A_57] : memref<3x2x128xi32, #tpu.memory_space<vmem>> -> memref<1x2x128xi32, #tpu.memory_space<vmem>>
    %dma_start3A_59 = tpu.memref_squeeze %dma_start3A_58 : memref<1x2x128xi32, #tpu.memory_space<vmem>> -> memref<2x128xi32, #tpu.memory_space<vmem>>
    %dma_start3A_60 = arith.constant 0 : i32
    %dma_start3A_61 = tpu.memref_slice %arg2[%dma_start3A_60, %add3A_35] : memref<2x320000xi32, #tpu.memory_space<hbm>> -> memref<2x128xi32, #tpu.memory_space<hbm>>
    tpu.enqueue_dma source(%dma_start3A_61 : memref<2x128xi32, #tpu.memory_space<hbm>>) target(%dma_start3A_59 : memref<2x128xi32, #tpu.memory_space<vmem>>) target_semaphore(%arg10 : memref<!tpu.dma_semaphore, #tpu.memory_space<semaphore_mem>>)
    %add3A_62 = arith.constant 256 : i32
    %add3A_63 = arith.addi %mul3A_2, %add3A_62 : i32
    %dma_start3A_64 = arith.constant 2 : i32
    %dma_start3A_65 = arith.constant 0 : i32
    %dma_start3A_66 = arith.constant 0 : i32
    %dma_start3A_67 = tpu.memref_slice %arg7[%dma_start3A_64, %dma_start3A_65, %dma_start3A_66] : memref<3x128x128xf32, #tpu.memory_space<vmem>> -> memref<1x128x128xf32, #tpu.memory_space<vmem>>
    %dma_start3A_68 = tpu.memref_squeeze %dma_start3A_67 : memref<1x128x128xf32, #tpu.memory_space<vmem>> -> memref<128x128xf32, #tpu.memory_space<vmem>>
    %dma_start3A_69 = arith.constant 0 : i32
    %dma_start3A_70 = tpu.memref_slice %arg3[%add3A_63, %dma_start3A_69] : memref<320000x128xf32, #tpu.memory_space<hbm>> -> memref<128x128xf32, #tpu.memory_space<hbm>>
    %dma_start3A_71 = arith.constant 0 : i32
    %dma_start3A_72 = arith.constant 0 : i32
    %dma_start3A_73 = tpu.memref_slice %arg7[%dma_start3A_64, %dma_start3A_71, %dma_start3A_72] : memref<3x128x128xf32, #tpu.memory_space<vmem>> -> memref<1x128x128xf32, #tpu.memory_space<vmem>>
    %dma_start3A_74 = tpu.memref_squeeze %dma_start3A_73 : memref<1x128x128xf32, #tpu.memory_space<vmem>> -> memref<128x128xf32, #tpu.memory_space<vmem>>
    %dma_start3A_75 = arith.constant 0 : i32
    %dma_start3A_76 = tpu.memref_slice %arg3[%add3A_63, %dma_start3A_75] : memref<320000x128xf32, #tpu.memory_space<hbm>> -> memref<128x128xf32, #tpu.memory_space<hbm>>
    tpu.enqueue_dma source(%dma_start3A_76 : memref<128x128xf32, #tpu.memory_space<hbm>>) target(%dma_start3A_74 : memref<128x128xf32, #tpu.memory_space<vmem>>) target_semaphore(%arg11 : memref<!tpu.dma_semaphore, #tpu.memory_space<semaphore_mem>>)
    %dma_start3A_77 = arith.constant 2 : i32
    %dma_start3A_78 = arith.constant 0 : i32
    %dma_start3A_79 = arith.constant 0 : i32
    %dma_start3A_80 = tpu.memref_slice %arg8[%dma_start3A_77, %dma_start3A_78, %dma_start3A_79] : memref<3x2x128xi32, #tpu.memory_space<vmem>> -> memref<1x2x128xi32, #tpu.memory_space<vmem>>
    %dma_start3A_81 = tpu.memref_squeeze %dma_start3A_80 : memref<1x2x128xi32, #tpu.memory_space<vmem>> -> memref<2x128xi32, #tpu.memory_space<vmem>>
    %dma_start3A_82 = arith.constant 0 : i32
    %dma_start3A_83 = tpu.memref_slice %arg2[%dma_start3A_82, %add3A_63] : memref<2x320000xi32, #tpu.memory_space<hbm>> -> memref<2x128xi32, #tpu.memory_space<hbm>>
    %dma_start3A_84 = arith.constant 0 : i32
    %dma_start3A_85 = arith.constant 0 : i32
    %dma_start3A_86 = tpu.memref_slice %arg8[%dma_start3A_77, %dma_start3A_84, %dma_start3A_85] : memref<3x2x128xi32, #tpu.memory_space<vmem>> -> memref<1x2x128xi32, #tpu.memory_space<vmem>>
    %dma_start3A_87 = tpu.memref_squeeze %dma_start3A_86 : memref<1x2x128xi32, #tpu.memory_space<vmem>> -> memref<2x128xi32, #tpu.memory_space<vmem>>
    %dma_start3A_88 = arith.constant 0 : i32
    %dma_start3A_89 = tpu.memref_slice %arg2[%dma_start3A_88, %add3A_63] : memref<2x320000xi32, #tpu.memory_space<hbm>> -> memref<2x128xi32, #tpu.memory_space<hbm>>
    tpu.enqueue_dma source(%dma_start3A_89 : memref<2x128xi32, #tpu.memory_space<hbm>>) target(%dma_start3A_87 : memref<2x128xi32, #tpu.memory_space<vmem>>) target_semaphore(%arg11 : memref<!tpu.dma_semaphore, #tpu.memory_space<semaphore_mem>>)
    %scan3A = arith.constant 0 : i32
    %scan3A_90 = arith.constant 0 : i32
    %scan3A_91 = arith.constant 25 : i32
    %scan3A_92 = arith.addi %scan3A_90, %scan3A_91 : i32
    %scan3A_93 = arith.constant 1 : i32
    scf.for %scan3A_196 = %scan3A_90 to %scan3A_92 step %scan3A_93  : i32 {
      %mul3A_197 = arith.constant 3 : i32
      %mul3A_198 = arith.muli %scan3A_196, %mul3A_197 : i32
      %add3A_199 = arith.constant 0 : i32
      %add3A_200 = arith.addi %mul3A_198, %add3A_199 : i32
      %mul3A_201 = arith.constant 128 : i32
      %mul3A_202 = arith.muli %add3A_200, %mul3A_201 : i32
      %add3A_203 = arith.addi %mul3A_2, %mul3A_202 : i32
      %dma_wait3A_204 = arith.constant 0 : i32
      %dma_wait3A_205 = arith.constant 0 : i32
      %dma_wait3A_206 = arith.constant 0 : i32
      %dma_wait3A_207 = tpu.memref_slice %arg7[%dma_wait3A_204, %dma_wait3A_205, %dma_wait3A_206] : memref<3x128x128xf32, #tpu.memory_space<vmem>> -> memref<1x128x128xf32, #tpu.memory_space<vmem>>
      %dma_wait3A_208 = tpu.memref_squeeze %dma_wait3A_207 : memref<1x128x128xf32, #tpu.memory_space<vmem>> -> memref<128x128xf32, #tpu.memory_space<vmem>>
      %dma_wait3A_209 = arith.constant 0 : i32
      %dma_wait3A_210 = tpu.memref_slice %arg3[%add3A_203, %dma_wait3A_209] : memref<320000x128xf32, #tpu.memory_space<hbm>> -> memref<128x128xf32, #tpu.memory_space<hbm>>
      %dma_wait3A_211 = arith.constant 0 : i32
      %dma_wait3A_212 = arith.constant 0 : i32
      %dma_wait3A_213 = tpu.memref_slice %arg7[%dma_wait3A_204, %dma_wait3A_211, %dma_wait3A_212] : memref<3x128x128xf32, #tpu.memory_space<vmem>> -> memref<1x128x128xf32, #tpu.memory_space<vmem>>
      %dma_wait3A_214 = tpu.memref_squeeze %dma_wait3A_213 : memref<1x128x128xf32, #tpu.memory_space<vmem>> -> memref<128x128xf32, #tpu.memory_space<vmem>>
      %dma_wait3A_215 = arith.constant 0 : i32
      %dma_wait3A_216 = tpu.memref_slice %arg3[%add3A_203, %dma_wait3A_215] : memref<320000x128xf32, #tpu.memory_space<hbm>> -> memref<128x128xf32, #tpu.memory_space<hbm>>
      tpu.wait_dma2 semaphore(%arg9 : memref<!tpu.dma_semaphore, #tpu.memory_space<semaphore_mem>>) src(%dma_wait3A_216 : memref<128x128xf32, #tpu.memory_space<hbm>>) dst(%dma_wait3A_214 : memref<128x128xf32, #tpu.memory_space<vmem>>)
      %dma_wait3A_217 = arith.constant 0 : i32
      %dma_wait3A_218 = arith.constant 0 : i32
      %dma_wait3A_219 = arith.constant 0 : i32
      %dma_wait3A_220 = tpu.memref_slice %arg8[%dma_wait3A_217, %dma_wait3A_218, %dma_wait3A_219] : memref<3x2x128xi32, #tpu.memory_space<vmem>> -> memref<1x2x128xi32, #tpu.memory_space<vmem>>
      %dma_wait3A_221 = tpu.memref_squeeze %dma_wait3A_220 : memref<1x2x128xi32, #tpu.memory_space<vmem>> -> memref<2x128xi32, #tpu.memory_space<vmem>>
      %dma_wait3A_222 = arith.constant 0 : i32
      %dma_wait3A_223 = tpu.memref_slice %arg2[%dma_wait3A_222, %add3A_203] : memref<2x320000xi32, #tpu.memory_space<hbm>> -> memref<2x128xi32, #tpu.memory_space<hbm>>
      %dma_wait3A_224 = arith.constant 0 : i32
      %dma_wait3A_225 = arith.constant 0 : i32
      %dma_wait3A_226 = tpu.memref_slice %arg8[%dma_wait3A_217, %dma_wait3A_224, %dma_wait3A_225] : memref<3x2x128xi32, #tpu.memory_space<vmem>> -> memref<1x2x128xi32, #tpu.memory_space<vmem>>
      %dma_wait3A_227 = tpu.memref_squeeze %dma_wait3A_226 : memref<1x2x128xi32, #tpu.memory_space<vmem>> -> memref<2x128xi32, #tpu.memory_space<vmem>>
      %dma_wait3A_228 = arith.constant 0 : i32
      %dma_wait3A_229 = tpu.memref_slice %arg2[%dma_wait3A_228, %add3A_203] : memref<2x320000xi32, #tpu.memory_space<hbm>> -> memref<2x128xi32, #tpu.memory_space<hbm>>
      tpu.wait_dma2 semaphore(%arg9 : memref<!tpu.dma_semaphore, #tpu.memory_space<semaphore_mem>>) src(%dma_wait3A_229 : memref<2x128xi32, #tpu.memory_space<hbm>>) dst(%dma_wait3A_227 : memref<2x128xi32, #tpu.memory_space<vmem>>)
      %run_scoped3A_230 = arith.constant 0 : i32
      %run_scoped3A_231 = arith.constant 0 : i32
      %run_scoped3A_232 = arith.constant 1 : i32
      "tpu.region"() ({
        %run_scoped3A_389 = tpu.sem_alloc : memref<!tpu.dma_semaphore, #tpu.memory_space<semaphore_mem>>
        %dma_start3A_390 = arith.constant 0 : i32
        %dma_start3A_391 = arith.constant 0 : i32
        %dma_start3A_392 = tpu.memref_slice %arg7[%run_scoped3A_230, %dma_start3A_390, %dma_start3A_391] : memref<3x128x128xf32, #tpu.memory_space<vmem>> -> memref<1x128x128xf32, #tpu.memory_space<vmem>>
        %dma_start3A_393 = tpu.memref_squeeze %dma_start3A_392 : memref<1x128x128xf32, #tpu.memory_space<vmem>> -> memref<128x128xf32, #tpu.memory_space<vmem>>
        %dma_start3A_394 = arith.constant 0 : i32
        %dma_start3A_395 = tpu.memref_slice %arg8[%run_scoped3A_231, %run_scoped3A_232, %dma_start3A_394] : memref<3x2x128xi32, #tpu.memory_space<vmem>> -> memref<1x1x128xi32, #tpu.memory_space<vmem>>
        %dma_start3A_396 = tpu.memref_squeeze %dma_start3A_395 : memref<1x1x128xi32, #tpu.memory_space<vmem>> -> memref<128xi32, #tpu.memory_space<vmem>>
        %dma_start3A_397 = arith.constant 0 : i32
        %dma_start3A_398 = arith.constant 0 : i32
        %dma_start3A_399 = tpu.memref_slice %arg6[%dma_start3A_397, %dma_start3A_398] : memref<10000x128xf32, #tpu.memory_space<vmem_shared>> -> memref<10000x128xf32, #tpu.memory_space<vmem_shared>>
        tpu.enqueue_indirect_dma source(%dma_start3A_393 : memref<128x128xf32, #tpu.memory_space<vmem>>) target(%dma_start3A_399 : memref<10000x128xf32, #tpu.memory_space<vmem_shared>>) offsets(%dma_start3A_396 : memref<128xi32, #tpu.memory_space<vmem>>) semaphore(%run_scoped3A_389 : memref<!tpu.dma_semaphore, #tpu.memory_space<semaphore_mem>>) {add = true}
        %dma_wait3A_400 = arith.constant 0 : i32
        %dma_wait3A_401 = arith.constant 0 : i32
        %dma_wait3A_402 = tpu.memref_slice %arg7[%run_scoped3A_230, %dma_wait3A_400, %dma_wait3A_401] : memref<3x128x128xf32, #tpu.memory_space<vmem>> -> memref<1x128x128xf32, #tpu.memory_space<vmem>>
        %dma_wait3A_403 = tpu.memref_squeeze %dma_wait3A_402 : memref<1x128x128xf32, #tpu.memory_space<vmem>> -> memref<128x128xf32, #tpu.memory_space<vmem>>
        %dma_wait3A_404 = arith.constant 0 : i32
        %dma_wait3A_405 = tpu.memref_slice %arg8[%run_scoped3A_231, %run_scoped3A_232, %dma_wait3A_404] : memref<3x2x128xi32, #tpu.memory_space<vmem>> -> memref<1x1x128xi32, #tpu.memory_space<vmem>>
        %dma_wait3A_406 = tpu.memref_squeeze %dma_wait3A_405 : memref<1x1x128xi32, #tpu.memory_space<vmem>> -> memref<128xi32, #tpu.memory_space<vmem>>
        %dma_wait3A_407 = arith.constant 0 : i32
        %dma_wait3A_408 = arith.constant 0 : i32
        %dma_wait3A_409 = tpu.memref_slice %arg6[%dma_wait3A_407, %dma_wait3A_408] : memref<10000x128xf32, #tpu.memory_space<vmem_shared>> -> memref<10000x128xf32, #tpu.memory_space<vmem_shared>>
        tpu.wait_indirect_dma semaphore(%run_scoped3A_389 : memref<!tpu.dma_semaphore, #tpu.memory_space<semaphore_mem>>) src(%dma_wait3A_403 : memref<128x128xf32, #tpu.memory_space<vmem>>) dst(%dma_wait3A_409 : memref<10000x128xf32, #tpu.memory_space<vmem_shared>>)
        tpu.yield
      }) : () -> ()
      %add3A_233 = arith.constant 384 : i32
      %add3A_234 = arith.addi %add3A_203, %add3A_233 : i32
      %dma_start3A_235 = arith.constant 0 : i32
      %dma_start3A_236 = arith.constant 0 : i32
      %dma_start3A_237 = arith.constant 0 : i32
      %dma_start3A_238 = tpu.memref_slice %arg7[%dma_start3A_235, %dma_start3A_236, %dma_start3A_237] : memref<3x128x128xf32, #tpu.memory_space<vmem>> -> memref<1x128x128xf32, #tpu.memory_space<vmem>>
      %dma_start3A_239 = tpu.memref_squeeze %dma_start3A_238 : memref<1x128x128xf32, #tpu.memory_space<vmem>> -> memref<128x128xf32, #tpu.memory_space<vmem>>
      %dma_start3A_240 = arith.constant 0 : i32
      %dma_start3A_241 = tpu.memref_slice %arg3[%add3A_234, %dma_start3A_240] : memref<320000x128xf32, #tpu.memory_space<hbm>> -> memref<128x128xf32, #tpu.memory_space<hbm>>
      %dma_start3A_242 = arith.constant 0 : i32
      %dma_start3A_243 = arith.constant 0 : i32
      %dma_start3A_244 = tpu.memref_slice %arg7[%dma_start3A_235, %dma_start3A_242, %dma_start3A_243] : memref<3x128x128xf32, #tpu.memory_space<vmem>> -> memref<1x128x128xf32, #tpu.memory_space<vmem>>
      %dma_start3A_245 = tpu.memref_squeeze %dma_start3A_244 : memref<1x128x128xf32, #tpu.memory_space<vmem>> -> memref<128x128xf32, #tpu.memory_space<vmem>>
      %dma_start3A_246 = arith.constant 0 : i32
      %dma_start3A_247 = tpu.memref_slice %arg3[%add3A_234, %dma_start3A_246] : memref<320000x128xf32, #tpu.memory_space<hbm>> -> memref<128x128xf32, #tpu.memory_space<hbm>>
      tpu.enqueue_dma source(%dma_start3A_247 : memref<128x128xf32, #tpu.memory_space<hbm>>) target(%dma_start3A_245 : memref<128x128xf32, #tpu.memory_space<vmem>>) target_semaphore(%arg9 : memref<!tpu.dma_semaphore, #tpu.memory_space<semaphore_mem>>)
      %dma_start3A_248 = arith.constant 0 : i32
      %dma_start3A_249 = arith.constant 0 : i32
      %dma_start3A_250 = arith.constant 0 : i32
      %dma_start3A_251 = tpu.memref_slice %arg8[%dma_start3A_248, %dma_start3A_249, %dma_start3A_250] : memref<3x2x128xi32, #tpu.memory_space<vmem>> -> memref<1x2x128xi32, #tpu.memory_space<vmem>>
      %dma_start3A_252 = tpu.memref_squeeze %dma_start3A_251 : memref<1x2x128xi32, #tpu.memory_space<vmem>> -> memref<2x128xi32, #tpu.memory_space<vmem>>
      %dma_start3A_253 = arith.constant 0 : i32
      %dma_start3A_254 = tpu.memref_slice %arg2[%dma_start3A_253, %add3A_234] : memref<2x320000xi32, #tpu.memory_space<hbm>> -> memref<2x128xi32, #tpu.memory_space<hbm>>
      %dma_start3A_255 = arith.constant 0 : i32
      %dma_start3A_256 = arith.constant 0 : i32
      %dma_start3A_257 = tpu.memref_slice %arg8[%dma_start3A_248, %dma_start3A_255, %dma_start3A_256] : memref<3x2x128xi32, #tpu.memory_space<vmem>> -> memref<1x2x128xi32, #tpu.memory_space<vmem>>
      %dma_start3A_258 = tpu.memref_squeeze %dma_start3A_257 : memref<1x2x128xi32, #tpu.memory_space<vmem>> -> memref<2x128xi32, #tpu.memory_space<vmem>>
      %dma_start3A_259 = arith.constant 0 : i32
      %dma_start3A_260 = tpu.memref_slice %arg2[%dma_start3A_259, %add3A_234] : memref<2x320000xi32, #tpu.memory_space<hbm>> -> memref<2x128xi32, #tpu.memory_space<hbm>>
      tpu.enqueue_dma source(%dma_start3A_260 : memref<2x128xi32, #tpu.memory_space<hbm>>) target(%dma_start3A_258 : memref<2x128xi32, #tpu.memory_space<vmem>>) target_semaphore(%arg9 : memref<!tpu.dma_semaphore, #tpu.memory_space<semaphore_mem>>)
      %mul3A_261 = arith.constant 3 : i32
      %mul3A_262 = arith.muli %scan3A_196, %mul3A_261 : i32
      %add3A_263 = arith.constant 1 : i32
      %add3A_264 = arith.addi %mul3A_262, %add3A_263 : i32
      %mul3A_265 = arith.constant 128 : i32
      %mul3A_266 = arith.muli %add3A_264, %mul3A_265 : i32
      %add3A_267 = arith.addi %mul3A_2, %mul3A_266 : i32
      %dma_wait3A_268 = arith.constant 1 : i32
      %dma_wait3A_269 = arith.constant 0 : i32
      %dma_wait3A_270 = arith.constant 0 : i32
      %dma_wait3A_271 = tpu.memref_slice %arg7[%dma_wait3A_268, %dma_wait3A_269, %dma_wait3A_270] : memref<3x128x128xf32, #tpu.memory_space<vmem>> -> memref<1x128x128xf32, #tpu.memory_space<vmem>>
      %dma_wait3A_272 = tpu.memref_squeeze %dma_wait3A_271 : memref<1x128x128xf32, #tpu.memory_space<vmem>> -> memref<128x128xf32, #tpu.memory_space<vmem>>
      %dma_wait3A_273 = arith.constant 0 : i32
      %dma_wait3A_274 = tpu.memref_slice %arg3[%add3A_267, %dma_wait3A_273] : memref<320000x128xf32, #tpu.memory_space<hbm>> -> memref<128x128xf32, #tpu.memory_space<hbm>>
      %dma_wait3A_275 = arith.constant 0 : i32
      %dma_wait3A_276 = arith.constant 0 : i32
      %dma_wait3A_277 = tpu.memref_slice %arg7[%dma_wait3A_268, %dma_wait3A_275, %dma_wait3A_276] : memref<3x128x128xf32, #tpu.memory_space<vmem>> -> memref<1x128x128xf32, #tpu.memory_space<vmem>>
      %dma_wait3A_278 = tpu.memref_squeeze %dma_wait3A_277 : memref<1x128x128xf32, #tpu.memory_space<vmem>> -> memref<128x128xf32, #tpu.memory_space<vmem>>
      %dma_wait3A_279 = arith.constant 0 : i32
      %dma_wait3A_280 = tpu.memref_slice %arg3[%add3A_267, %dma_wait3A_279] : memref<320000x128xf32, #tpu.memory_space<hbm>> -> memref<128x128xf32, #tpu.memory_space<hbm>>
      tpu.wait_dma2 semaphore(%arg10 : memref<!tpu.dma_semaphore, #tpu.memory_space<semaphore_mem>>) src(%dma_wait3A_280 : memref<128x128xf32, #tpu.memory_space<hbm>>) dst(%dma_wait3A_278 : memref<128x128xf32, #tpu.memory_space<vmem>>)
      %dma_wait3A_281 = arith.constant 1 : i32
      %dma_wait3A_282 = arith.constant 0 : i32
      %dma_wait3A_283 = arith.constant 0 : i32
      %dma_wait3A_284 = tpu.memref_slice %arg8[%dma_wait3A_281, %dma_wait3A_282, %dma_wait3A_283] : memref<3x2x128xi32, #tpu.memory_space<vmem>> -> memref<1x2x128xi32, #tpu.memory_space<vmem>>
      %dma_wait3A_285 = tpu.memref_squeeze %dma_wait3A_284 : memref<1x2x128xi32, #tpu.memory_space<vmem>> -> memref<2x128xi32, #tpu.memory_space<vmem>>
      %dma_wait3A_286 = arith.constant 0 : i32
      %dma_wait3A_287 = tpu.memref_slice %arg2[%dma_wait3A_286, %add3A_267] : memref<2x320000xi32, #tpu.memory_space<hbm>> -> memref<2x128xi32, #tpu.memory_space<hbm>>
      %dma_wait3A_288 = arith.constant 0 : i32
      %dma_wait3A_289 = arith.constant 0 : i32
      %dma_wait3A_290 = tpu.memref_slice %arg8[%dma_wait3A_281, %dma_wait3A_288, %dma_wait3A_289] : memref<3x2x128xi32, #tpu.memory_space<vmem>> -> memref<1x2x128xi32, #tpu.memory_space<vmem>>
      %dma_wait3A_291 = tpu.memref_squeeze %dma_wait3A_290 : memref<1x2x128xi32, #tpu.memory_space<vmem>> -> memref<2x128xi32, #tpu.memory_space<vmem>>
      %dma_wait3A_292 = arith.constant 0 : i32
      %dma_wait3A_293 = tpu.memref_slice %arg2[%dma_wait3A_292, %add3A_267] : memref<2x320000xi32, #tpu.memory_space<hbm>> -> memref<2x128xi32, #tpu.memory_space<hbm>>
      tpu.wait_dma2 semaphore(%arg10 : memref<!tpu.dma_semaphore, #tpu.memory_space<semaphore_mem>>) src(%dma_wait3A_293 : memref<2x128xi32, #tpu.memory_space<hbm>>) dst(%dma_wait3A_291 : memref<2x128xi32, #tpu.memory_space<vmem>>)
      %run_scoped3A_294 = arith.constant 1 : i32
      %run_scoped3A_295 = arith.constant 1 : i32
      %run_scoped3A_296 = arith.constant 1 : i32
      "tpu.region"() ({
        %run_scoped3A_389 = tpu.sem_alloc : memref<!tpu.dma_semaphore, #tpu.memory_space<semaphore_mem>>
        %dma_start3A_390 = arith.constant 0 : i32
        %dma_start3A_391 = arith.constant 0 : i32
        %dma_start3A_392 = tpu.memref_slice %arg7[%run_scoped3A_294, %dma_start3A_390, %dma_start3A_391] : memref<3x128x128xf32, #tpu.memory_space<vmem>> -> memref<1x128x128xf32, #tpu.memory_space<vmem>>
        %dma_start3A_393 = tpu.memref_squeeze %dma_start3A_392 : memref<1x128x128xf32, #tpu.memory_space<vmem>> -> memref<128x128xf32, #tpu.memory_space<vmem>>
        %dma_start3A_394 = arith.constant 0 : i32
        %dma_start3A_395 = tpu.memref_slice %arg8[%run_scoped3A_295, %run_scoped3A_296, %dma_start3A_394] : memref<3x2x128xi32, #tpu.memory_space<vmem>> -> memref<1x1x128xi32, #tpu.memory_space<vmem>>
        %dma_start3A_396 = tpu.memref_squeeze %dma_start3A_395 : memref<1x1x128xi32, #tpu.memory_space<vmem>> -> memref<128xi32, #tpu.memory_space<vmem>>
        %dma_start3A_397 = arith.constant 0 : i32
        %dma_start3A_398 = arith.constant 0 : i32
        %dma_start3A_399 = tpu.memref_slice %arg6[%dma_start3A_397, %dma_start3A_398] : memref<10000x128xf32, #tpu.memory_space<vmem_shared>> -> memref<10000x128xf32, #tpu.memory_space<vmem_shared>>
        tpu.enqueue_indirect_dma source(%dma_start3A_393 : memref<128x128xf32, #tpu.memory_space<vmem>>) target(%dma_start3A_399 : memref<10000x128xf32, #tpu.memory_space<vmem_shared>>) offsets(%dma_start3A_396 : memref<128xi32, #tpu.memory_space<vmem>>) semaphore(%run_scoped3A_389 : memref<!tpu.dma_semaphore, #tpu.memory_space<semaphore_mem>>) {add = true}
        %dma_wait3A_400 = arith.constant 0 : i32
        %dma_wait3A_401 = arith.constant 0 : i32
        %dma_wait3A_402 = tpu.memref_slice %arg7[%run_scoped3A_294, %dma_wait3A_400, %dma_wait3A_401] : memref<3x128x128xf32, #tpu.memory_space<vmem>> -> memref<1x128x128xf32, #tpu.memory_space<vmem>>
        %dma_wait3A_403 = tpu.memref_squeeze %dma_wait3A_402 : memref<1x128x128xf32, #tpu.memory_space<vmem>> -> memref<128x128xf32, #tpu.memory_space<vmem>>
        %dma_wait3A_404 = arith.constant 0 : i32
        %dma_wait3A_405 = tpu.memref_slice %arg8[%run_scoped3A_295, %run_scoped3A_296, %dma_wait3A_404] : memref<3x2x128xi32, #tpu.memory_space<vmem>> -> memref<1x1x128xi32, #tpu.memory_space<vmem>>
        %dma_wait3A_406 = tpu.memref_squeeze %dma_wait3A_405 : memref<1x1x128xi32, #tpu.memory_space<vmem>> -> memref<128xi32, #tpu.memory_space<vmem>>
        %dma_wait3A_407 = arith.constant 0 : i32
        %dma_wait3A_408 = arith.constant 0 : i32
        %dma_wait3A_409 = tpu.memref_slice %arg6[%dma_wait3A_407, %dma_wait3A_408] : memref<10000x128xf32, #tpu.memory_space<vmem_shared>> -> memref<10000x128xf32, #tpu.memory_space<vmem_shared>>
        tpu.wait_indirect_dma semaphore(%run_scoped3A_389 : memref<!tpu.dma_semaphore, #tpu.memory_space<semaphore_mem>>) src(%dma_wait3A_403 : memref<128x128xf32, #tpu.memory_space<vmem>>) dst(%dma_wait3A_409 : memref<10000x128xf32, #tpu.memory_space<vmem_shared>>)
        tpu.yield
      }) : () -> ()
      %add3A_297 = arith.constant 384 : i32
      %add3A_298 = arith.addi %add3A_267, %add3A_297 : i32
      %dma_start3A_299 = arith.constant 1 : i32
      %dma_start3A_300 = arith.constant 0 : i32
      %dma_start3A_301 = arith.constant 0 : i32
      %dma_start3A_302 = tpu.memref_slice %arg7[%dma_start3A_299, %dma_start3A_300, %dma_start3A_301] : memref<3x128x128xf32, #tpu.memory_space<vmem>> -> memref<1x128x128xf32, #tpu.memory_space<vmem>>
      %dma_start3A_303 = tpu.memref_squeeze %dma_start3A_302 : memref<1x128x128xf32, #tpu.memory_space<vmem>> -> memref<128x128xf32, #tpu.memory_space<vmem>>
      %dma_start3A_304 = arith.constant 0 : i32
      %dma_start3A_305 = tpu.memref_slice %arg3[%add3A_298, %dma_start3A_304] : memref<320000x128xf32, #tpu.memory_space<hbm>> -> memref<128x128xf32, #tpu.memory_space<hbm>>
      %dma_start3A_306 = arith.constant 0 : i32
      %dma_start3A_307 = arith.constant 0 : i32
      %dma_start3A_308 = tpu.memref_slice %arg7[%dma_start3A_299, %dma_start3A_306, %dma_start3A_307] : memref<3x128x128xf32, #tpu.memory_space<vmem>> -> memref<1x128x128xf32, #tpu.memory_space<vmem>>
      %dma_start3A_309 = tpu.memref_squeeze %dma_start3A_308 : memref<1x128x128xf32, #tpu.memory_space<vmem>> -> memref<128x128xf32, #tpu.memory_space<vmem>>
      %dma_start3A_310 = arith.constant 0 : i32
      %dma_start3A_311 = tpu.memref_slice %arg3[%add3A_298, %dma_start3A_310] : memref<320000x128xf32, #tpu.memory_space<hbm>> -> memref<128x128xf32, #tpu.memory_space<hbm>>
      tpu.enqueue_dma source(%dma_start3A_311 : memref<128x128xf32, #tpu.memory_space<hbm>>) target(%dma_start3A_309 : memref<128x128xf32, #tpu.memory_space<vmem>>) target_semaphore(%arg10 : memref<!tpu.dma_semaphore, #tpu.memory_space<semaphore_mem>>)
      %dma_start3A_312 = arith.constant 1 : i32
      %dma_start3A_313 = arith.constant 0 : i32
      %dma_start3A_314 = arith.constant 0 : i32
      %dma_start3A_315 = tpu.memref_slice %arg8[%dma_start3A_312, %dma_start3A_313, %dma_start3A_314] : memref<3x2x128xi32, #tpu.memory_space<vmem>> -> memref<1x2x128xi32, #tpu.memory_space<vmem>>
      %dma_start3A_316 = tpu.memref_squeeze %dma_start3A_315 : memref<1x2x128xi32, #tpu.memory_space<vmem>> -> memref<2x128xi32, #tpu.memory_space<vmem>>
      %dma_start3A_317 = arith.constant 0 : i32
      %dma_start3A_318 = tpu.memref_slice %arg2[%dma_start3A_317, %add3A_298] : memref<2x320000xi32, #tpu.memory_space<hbm>> -> memref<2x128xi32, #tpu.memory_space<hbm>>
      %dma_start3A_319 = arith.constant 0 : i32
      %dma_start3A_320 = arith.constant 0 : i32
      %dma_start3A_321 = tpu.memref_slice %arg8[%dma_start3A_312, %dma_start3A_319, %dma_start3A_320] : memref<3x2x128xi32, #tpu.memory_space<vmem>> -> memref<1x2x128xi32, #tpu.memory_space<vmem>>
      %dma_start3A_322 = tpu.memref_squeeze %dma_start3A_321 : memref<1x2x128xi32, #tpu.memory_space<vmem>> -> memref<2x128xi32, #tpu.memory_space<vmem>>
      %dma_start3A_323 = arith.constant 0 : i32
      %dma_start3A_324 = tpu.memref_slice %arg2[%dma_start3A_323, %add3A_298] : memref<2x320000xi32, #tpu.memory_space<hbm>> -> memref<2x128xi32, #tpu.memory_space<hbm>>
      tpu.enqueue_dma source(%dma_start3A_324 : memref<2x128xi32, #tpu.memory_space<hbm>>) target(%dma_start3A_322 : memref<2x128xi32, #tpu.memory_space<vmem>>) target_semaphore(%arg10 : memref<!tpu.dma_semaphore, #tpu.memory_space<semaphore_mem>>)
      %mul3A_325 = arith.constant 3 : i32
      %mul3A_326 = arith.muli %scan3A_196, %mul3A_325 : i32
      %add3A_327 = arith.constant 2 : i32
      %add3A_328 = arith.addi %mul3A_326, %add3A_327 : i32
      %mul3A_329 = arith.constant 128 : i32
      %mul3A_330 = arith.muli %add3A_328, %mul3A_329 : i32
      %add3A_331 = arith.addi %mul3A_2, %mul3A_330 : i32
      %dma_wait3A_332 = arith.constant 2 : i32
      %dma_wait3A_333 = arith.constant 0 : i32
      %dma_wait3A_334 = arith.constant 0 : i32
      %dma_wait3A_335 = tpu.memref_slice %arg7[%dma_wait3A_332, %dma_wait3A_333, %dma_wait3A_334] : memref<3x128x128xf32, #tpu.memory_space<vmem>> -> memref<1x128x128xf32, #tpu.memory_space<vmem>>
      %dma_wait3A_336 = tpu.memref_squeeze %dma_wait3A_335 : memref<1x128x128xf32, #tpu.memory_space<vmem>> -> memref<128x128xf32, #tpu.memory_space<vmem>>
      %dma_wait3A_337 = arith.constant 0 : i32
      %dma_wait3A_338 = tpu.memref_slice %arg3[%add3A_331, %dma_wait3A_337] : memref<320000x128xf32, #tpu.memory_space<hbm>> -> memref<128x128xf32, #tpu.memory_space<hbm>>
      %dma_wait3A_339 = arith.constant 0 : i32
      %dma_wait3A_340 = arith.constant 0 : i32
      %dma_wait3A_341 = tpu.memref_slice %arg7[%dma_wait3A_332, %dma_wait3A_339, %dma_wait3A_340] : memref<3x128x128xf32, #tpu.memory_space<vmem>> -> memref<1x128x128xf32, #tpu.memory_space<vmem>>
      %dma_wait3A_342 = tpu.memref_squeeze %dma_wait3A_341 : memref<1x128x128xf32, #tpu.memory_space<vmem>> -> memref<128x128xf32, #tpu.memory_space<vmem>>
      %dma_wait3A_343 = arith.constant 0 : i32
      %dma_wait3A_344 = tpu.memref_slice %arg3[%add3A_331, %dma_wait3A_343] : memref<320000x128xf32, #tpu.memory_space<hbm>> -> memref<128x128xf32, #tpu.memory_space<hbm>>
      tpu.wait_dma2 semaphore(%arg11 : memref<!tpu.dma_semaphore, #tpu.memory_space<semaphore_mem>>) src(%dma_wait3A_344 : memref<128x128xf32, #tpu.memory_space<hbm>>) dst(%dma_wait3A_342 : memref<128x128xf32, #tpu.memory_space<vmem>>)
      %dma_wait3A_345 = arith.constant 2 : i32
      %dma_wait3A_346 = arith.constant 0 : i32
      %dma_wait3A_347 = arith.constant 0 : i32
      %dma_wait3A_348 = tpu.memref_slice %arg8[%dma_wait3A_345, %dma_wait3A_346, %dma_wait3A_347] : memref<3x2x128xi32, #tpu.memory_space<vmem>> -> memref<1x2x128xi32, #tpu.memory_space<vmem>>
      %dma_wait3A_349 = tpu.memref_squeeze %dma_wait3A_348 : memref<1x2x128xi32, #tpu.memory_space<vmem>> -> memref<2x128xi32, #tpu.memory_space<vmem>>
      %dma_wait3A_350 = arith.constant 0 : i32
      %dma_wait3A_351 = tpu.memref_slice %arg2[%dma_wait3A_350, %add3A_331] : memref<2x320000xi32, #tpu.memory_space<hbm>> -> memref<2x128xi32, #tpu.memory_space<hbm>>
      %dma_wait3A_352 = arith.constant 0 : i32
      %dma_wait3A_353 = arith.constant 0 : i32
      %dma_wait3A_354 = tpu.memref_slice %arg8[%dma_wait3A_345, %dma_wait3A_352, %dma_wait3A_353] : memref<3x2x128xi32, #tpu.memory_space<vmem>> -> memref<1x2x128xi32, #tpu.memory_space<vmem>>
      %dma_wait3A_355 = tpu.memref_squeeze %dma_wait3A_354 : memref<1x2x128xi32, #tpu.memory_space<vmem>> -> memref<2x128xi32, #tpu.memory_space<vmem>>
      %dma_wait3A_356 = arith.constant 0 : i32
      %dma_wait3A_357 = tpu.memref_slice %arg2[%dma_wait3A_356, %add3A_331] : memref<2x320000xi32, #tpu.memory_space<hbm>> -> memref<2x128xi32, #tpu.memory_space<hbm>>
      tpu.wait_dma2 semaphore(%arg11 : memref<!tpu.dma_semaphore, #tpu.memory_space<semaphore_mem>>) src(%dma_wait3A_357 : memref<2x128xi32, #tpu.memory_space<hbm>>) dst(%dma_wait3A_355 : memref<2x128xi32, #tpu.memory_space<vmem>>)
      %run_scoped3A_358 = arith.constant 2 : i32
      %run_scoped3A_359 = arith.constant 2 : i32
      %run_scoped3A_360 = arith.constant 1 : i32
      "tpu.region"() ({
        %run_scoped3A_389 = tpu.sem_alloc : memref<!tpu.dma_semaphore, #tpu.memory_space<semaphore_mem>>
        %dma_start3A_390 = arith.constant 0 : i32
        %dma_start3A_391 = arith.constant 0 : i32
        %dma_start3A_392 = tpu.memref_slice %arg7[%run_scoped3A_358, %dma_start3A_390, %dma_start3A_391] : memref<3x128x128xf32, #tpu.memory_space<vmem>> -> memref<1x128x128xf32, #tpu.memory_space<vmem>>
        %dma_start3A_393 = tpu.memref_squeeze %dma_start3A_392 : memref<1x128x128xf32, #tpu.memory_space<vmem>> -> memref<128x128xf32, #tpu.memory_space<vmem>>
        %dma_start3A_394 = arith.constant 0 : i32
        %dma_start3A_395 = tpu.memref_slice %arg8[%run_scoped3A_359, %run_scoped3A_360, %dma_start3A_394] : memref<3x2x128xi32, #tpu.memory_space<vmem>> -> memref<1x1x128xi32, #tpu.memory_space<vmem>>
        %dma_start3A_396 = tpu.memref_squeeze %dma_start3A_395 : memref<1x1x128xi32, #tpu.memory_space<vmem>> -> memref<128xi32, #tpu.memory_space<vmem>>
        %dma_start3A_397 = arith.constant 0 : i32
        %dma_start3A_398 = arith.constant 0 : i32
        %dma_start3A_399 = tpu.memref_slice %arg6[%dma_start3A_397, %dma_start3A_398] : memref<10000x128xf32, #tpu.memory_space<vmem_shared>> -> memref<10000x128xf32, #tpu.memory_space<vmem_shared>>
        tpu.enqueue_indirect_dma source(%dma_start3A_393 : memref<128x128xf32, #tpu.memory_space<vmem>>) target(%dma_start3A_399 : memref<10000x128xf32, #tpu.memory_space<vmem_shared>>) offsets(%dma_start3A_396 : memref<128xi32, #tpu.memory_space<vmem>>) semaphore(%run_scoped3A_389 : memref<!tpu.dma_semaphore, #tpu.memory_space<semaphore_mem>>) {add = true}
        %dma_wait3A_400 = arith.constant 0 : i32
        %dma_wait3A_401 = arith.constant 0 : i32
        %dma_wait3A_402 = tpu.memref_slice %arg7[%run_scoped3A_358, %dma_wait3A_400, %dma_wait3A_401] : memref<3x128x128xf32, #tpu.memory_space<vmem>> -> memref<1x128x128xf32, #tpu.memory_space<vmem>>
        %dma_wait3A_403 = tpu.memref_squeeze %dma_wait3A_402 : memref<1x128x128xf32, #tpu.memory_space<vmem>> -> memref<128x128xf32, #tpu.memory_space<vmem>>
        %dma_wait3A_404 = arith.constant 0 : i32
        %dma_wait3A_405 = tpu.memref_slice %arg8[%run_scoped3A_359, %run_scoped3A_360, %dma_wait3A_404] : memref<3x2x128xi32, #tpu.memory_space<vmem>> -> memref<1x1x128xi32, #tpu.memory_space<vmem>>
        %dma_wait3A_406 = tpu.memref_squeeze %dma_wait3A_405 : memref<1x1x128xi32, #tpu.memory_space<vmem>> -> memref<128xi32, #tpu.memory_space<vmem>>
        %dma_wait3A_407 = arith.constant 0 : i32
        %dma_wait3A_408 = arith.constant 0 : i32
        %dma_wait3A_409 = tpu.memref_slice %arg6[%dma_wait3A_407, %dma_wait3A_408] : memref<10000x128xf32, #tpu.memory_space<vmem_shared>> -> memref<10000x128xf32, #tpu.memory_space<vmem_shared>>
        tpu.wait_indirect_dma semaphore(%run_scoped3A_389 : memref<!tpu.dma_semaphore, #tpu.memory_space<semaphore_mem>>) src(%dma_wait3A_403 : memref<128x128xf32, #tpu.memory_space<vmem>>) dst(%dma_wait3A_409 : memref<10000x128xf32, #tpu.memory_space<vmem_shared>>)
        tpu.yield
      }) : () -> ()
      %add3A_361 = arith.constant 384 : i32
      %add3A_362 = arith.addi %add3A_331, %add3A_361 : i32
      %dma_start3A_363 = arith.constant 2 : i32
      %dma_start3A_364 = arith.constant 0 : i32
      %dma_start3A_365 = arith.constant 0 : i32
      %dma_start3A_366 = tpu.memref_slice %arg7[%dma_start3A_363, %dma_start3A_364, %dma_start3A_365] : memref<3x128x128xf32, #tpu.memory_space<vmem>> -> memref<1x128x128xf32, #tpu.memory_space<vmem>>
      %dma_start3A_367 = tpu.memref_squeeze %dma_start3A_366 : memref<1x128x128xf32, #tpu.memory_space<vmem>> -> memref<128x128xf32, #tpu.memory_space<vmem>>
      %dma_start3A_368 = arith.constant 0 : i32
      %dma_start3A_369 = tpu.memref_slice %arg3[%add3A_362, %dma_start3A_368] : memref<320000x128xf32, #tpu.memory_space<hbm>> -> memref<128x128xf32, #tpu.memory_space<hbm>>
      %dma_start3A_370 = arith.constant 0 : i32
      %dma_start3A_371 = arith.constant 0 : i32
      %dma_start3A_372 = tpu.memref_slice %arg7[%dma_start3A_363, %dma_start3A_370, %dma_start3A_371] : memref<3x128x128xf32, #tpu.memory_space<vmem>> -> memref<1x128x128xf32, #tpu.memory_space<vmem>>
      %dma_start3A_373 = tpu.memref_squeeze %dma_start3A_372 : memref<1x128x128xf32, #tpu.memory_space<vmem>> -> memref<128x128xf32, #tpu.memory_space<vmem>>
      %dma_start3A_374 = arith.constant 0 : i32
      %dma_start3A_375 = tpu.memref_slice %arg3[%add3A_362, %dma_start3A_374] : memref<320000x128xf32, #tpu.memory_space<hbm>> -> memref<128x128xf32, #tpu.memory_space<hbm>>
      tpu.enqueue_dma source(%dma_start3A_375 : memref<128x128xf32, #tpu.memory_space<hbm>>) target(%dma_start3A_373 : memref<128x128xf32, #tpu.memory_space<vmem>>) target_semaphore(%arg11 : memref<!tpu.dma_semaphore, #tpu.memory_space<semaphore_mem>>)
      %dma_start3A_376 = arith.constant 2 : i32
      %dma_start3A_377 = arith.constant 0 : i32
      %dma_start3A_378 = arith.constant 0 : i32
      %dma_start3A_379 = tpu.memref_slice %arg8[%dma_start3A_376, %dma_start3A_377, %dma_start3A_378] : memref<3x2x128xi32, #tpu.memory_space<vmem>> -> memref<1x2x128xi32, #tpu.memory_space<vmem>>
      %dma_start3A_380 = tpu.memref_squeeze %dma_start3A_379 : memref<1x2x128xi32, #tpu.memory_space<vmem>> -> memref<2x128xi32, #tpu.memory_space<vmem>>
      %dma_start3A_381 = arith.constant 0 : i32
      %dma_start3A_382 = tpu.memref_slice %arg2[%dma_start3A_381, %add3A_362] : memref<2x320000xi32, #tpu.memory_space<hbm>> -> memref<2x128xi32, #tpu.memory_space<hbm>>
      %dma_start3A_383 = arith.constant 0 : i32
      %dma_start3A_384 = arith.constant 0 : i32
      %dma_start3A_385 = tpu.memref_slice %arg8[%dma_start3A_376, %dma_start3A_383, %dma_start3A_384] : memref<3x2x128xi32, #tpu.memory_space<vmem>> -> memref<1x2x128xi32, #tpu.memory_space<vmem>>
      %dma_start3A_386 = tpu.memref_squeeze %dma_start3A_385 : memref<1x2x128xi32, #tpu.memory_space<vmem>> -> memref<2x128xi32, #tpu.memory_space<vmem>>
      %dma_start3A_387 = arith.constant 0 : i32
      %dma_start3A_388 = tpu.memref_slice %arg2[%dma_start3A_387, %add3A_362] : memref<2x320000xi32, #tpu.memory_space<hbm>> -> memref<2x128xi32, #tpu.memory_space<hbm>>
      tpu.enqueue_dma source(%dma_start3A_388 : memref<2x128xi32, #tpu.memory_space<hbm>>) target(%dma_start3A_386 : memref<2x128xi32, #tpu.memory_space<vmem>>) target_semaphore(%arg11 : memref<!tpu.dma_semaphore, #tpu.memory_space<semaphore_mem>>)
    }
    %scan3A_94 = arith.constant 25 : i32
    %add3A_95 = arith.constant 9600 : i32
    %add3A_96 = arith.addi %mul3A_2, %add3A_95 : i32
    %dma_wait3A = arith.constant 0 : i32
    %dma_wait3A_97 = arith.constant 0 : i32
    %dma_wait3A_98 = arith.constant 0 : i32
    %dma_wait3A_99 = tpu.memref_slice %arg7[%dma_wait3A, %dma_wait3A_97, %dma_wait3A_98] : memref<3x128x128xf32, #tpu.memory_space<vmem>> -> memref<1x128x128xf32, #tpu.memory_space<vmem>>
    %dma_wait3A_100 = tpu.memref_squeeze %dma_wait3A_99 : memref<1x128x128xf32, #tpu.memory_space<vmem>> -> memref<128x128xf32, #tpu.memory_space<vmem>>
    %dma_wait3A_101 = arith.constant 0 : i32
    %dma_wait3A_102 = tpu.memref_slice %arg3[%add3A_96, %dma_wait3A_101] : memref<320000x128xf32, #tpu.memory_space<hbm>> -> memref<128x128xf32, #tpu.memory_space<hbm>>
    %dma_wait3A_103 = arith.constant 0 : i32
    %dma_wait3A_104 = arith.constant 0 : i32
    %dma_wait3A_105 = tpu.memref_slice %arg7[%dma_wait3A, %dma_wait3A_103, %dma_wait3A_104] : memref<3x128x128xf32, #tpu.memory_space<vmem>> -> memref<1x128x128xf32, #tpu.memory_space<vmem>>
    %dma_wait3A_106 = tpu.memref_squeeze %dma_wait3A_105 : memref<1x128x128xf32, #tpu.memory_space<vmem>> -> memref<128x128xf32, #tpu.memory_space<vmem>>
    %dma_wait3A_107 = arith.constant 0 : i32
    %dma_wait3A_108 = tpu.memref_slice %arg3[%add3A_96, %dma_wait3A_107] : memref<320000x128xf32, #tpu.memory_space<hbm>> -> memref<128x128xf32, #tpu.memory_space<hbm>>
    tpu.wait_dma2 semaphore(%arg9 : memref<!tpu.dma_semaphore, #tpu.memory_space<semaphore_mem>>) src(%dma_wait3A_108 : memref<128x128xf32, #tpu.memory_space<hbm>>) dst(%dma_wait3A_106 : memref<128x128xf32, #tpu.memory_space<vmem>>)
    %dma_wait3A_109 = arith.constant 0 : i32
    %dma_wait3A_110 = arith.constant 0 : i32
    %dma_wait3A_111 = arith.constant 0 : i32
    %dma_wait3A_112 = tpu.memref_slice %arg8[%dma_wait3A_109, %dma_wait3A_110, %dma_wait3A_111] : memref<3x2x128xi32, #tpu.memory_space<vmem>> -> memref<1x2x128xi32, #tpu.memory_space<vmem>>
    %dma_wait3A_113 = tpu.memref_squeeze %dma_wait3A_112 : memref<1x2x128xi32, #tpu.memory_space<vmem>> -> memref<2x128xi32, #tpu.memory_space<vmem>>
    %dma_wait3A_114 = arith.constant 0 : i32
    %dma_wait3A_115 = tpu.memref_slice %arg2[%dma_wait3A_114, %add3A_96] : memref<2x320000xi32, #tpu.memory_space<hbm>> -> memref<2x128xi32, #tpu.memory_space<hbm>>
    %dma_wait3A_116 = arith.constant 0 : i32
    %dma_wait3A_117 = arith.constant 0 : i32
    %dma_wait3A_118 = tpu.memref_slice %arg8[%dma_wait3A_109, %dma_wait3A_116, %dma_wait3A_117] : memref<3x2x128xi32, #tpu.memory_space<vmem>> -> memref<1x2x128xi32, #tpu.memory_space<vmem>>
    %dma_wait3A_119 = tpu.memref_squeeze %dma_wait3A_118 : memref<1x2x128xi32, #tpu.memory_space<vmem>> -> memref<2x128xi32, #tpu.memory_space<vmem>>
    %dma_wait3A_120 = arith.constant 0 : i32
    %dma_wait3A_121 = tpu.memref_slice %arg2[%dma_wait3A_120, %add3A_96] : memref<2x320000xi32, #tpu.memory_space<hbm>> -> memref<2x128xi32, #tpu.memory_space<hbm>>
    tpu.wait_dma2 semaphore(%arg9 : memref<!tpu.dma_semaphore, #tpu.memory_space<semaphore_mem>>) src(%dma_wait3A_121 : memref<2x128xi32, #tpu.memory_space<hbm>>) dst(%dma_wait3A_119 : memref<2x128xi32, #tpu.memory_space<vmem>>)
    %run_scoped3A = arith.constant 0 : i32
    %run_scoped3A_122 = arith.constant 0 : i32
    %run_scoped3A_123 = arith.constant 1 : i32
    "tpu.region"() ({
      %run_scoped3A_196 = tpu.sem_alloc : memref<!tpu.dma_semaphore, #tpu.memory_space<semaphore_mem>>
      %dma_start3A_197 = arith.constant 0 : i32
      %dma_start3A_198 = arith.constant 0 : i32
      %dma_start3A_199 = tpu.memref_slice %arg7[%run_scoped3A, %dma_start3A_197, %dma_start3A_198] : memref<3x128x128xf32, #tpu.memory_space<vmem>> -> memref<1x128x128xf32, #tpu.memory_space<vmem>>
      %dma_start3A_200 = tpu.memref_squeeze %dma_start3A_199 : memref<1x128x128xf32, #tpu.memory_space<vmem>> -> memref<128x128xf32, #tpu.memory_space<vmem>>
      %dma_start3A_201 = arith.constant 0 : i32
      %dma_start3A_202 = tpu.memref_slice %arg8[%run_scoped3A_122, %run_scoped3A_123, %dma_start3A_201] : memref<3x2x128xi32, #tpu.memory_space<vmem>> -> memref<1x1x128xi32, #tpu.memory_space<vmem>>
      %dma_start3A_203 = tpu.memref_squeeze %dma_start3A_202 : memref<1x1x128xi32, #tpu.memory_space<vmem>> -> memref<128xi32, #tpu.memory_space<vmem>>
      %dma_start3A_204 = arith.constant 0 : i32
      %dma_start3A_205 = arith.constant 0 : i32
      %dma_start3A_206 = tpu.memref_slice %arg6[%dma_start3A_204, %dma_start3A_205] : memref<10000x128xf32, #tpu.memory_space<vmem_shared>> -> memref<10000x128xf32, #tpu.memory_space<vmem_shared>>
      tpu.enqueue_indirect_dma source(%dma_start3A_200 : memref<128x128xf32, #tpu.memory_space<vmem>>) target(%dma_start3A_206 : memref<10000x128xf32, #tpu.memory_space<vmem_shared>>) offsets(%dma_start3A_203 : memref<128xi32, #tpu.memory_space<vmem>>) semaphore(%run_scoped3A_196 : memref<!tpu.dma_semaphore, #tpu.memory_space<semaphore_mem>>) {add = true}
      %dma_wait3A_207 = arith.constant 0 : i32
      %dma_wait3A_208 = arith.constant 0 : i32
      %dma_wait3A_209 = tpu.memref_slice %arg7[%run_scoped3A, %dma_wait3A_207, %dma_wait3A_208] : memref<3x128x128xf32, #tpu.memory_space<vmem>> -> memref<1x128x128xf32, #tpu.memory_space<vmem>>
      %dma_wait3A_210 = tpu.memref_squeeze %dma_wait3A_209 : memref<1x128x128xf32, #tpu.memory_space<vmem>> -> memref<128x128xf32, #tpu.memory_space<vmem>>
      %dma_wait3A_211 = arith.constant 0 : i32
      %dma_wait3A_212 = tpu.memref_slice %arg8[%run_scoped3A_122, %run_scoped3A_123, %dma_wait3A_211] : memref<3x2x128xi32, #tpu.memory_space<vmem>> -> memref<1x1x128xi32, #tpu.memory_space<vmem>>
      %dma_wait3A_213 = tpu.memref_squeeze %dma_wait3A_212 : memref<1x1x128xi32, #tpu.memory_space<vmem>> -> memref<128xi32, #tpu.memory_space<vmem>>
      %dma_wait3A_214 = arith.constant 0 : i32
      %dma_wait3A_215 = arith.constant 0 : i32
      %dma_wait3A_216 = tpu.memref_slice %arg6[%dma_wait3A_214, %dma_wait3A_215] : memref<10000x128xf32, #tpu.memory_space<vmem_shared>> -> memref<10000x128xf32, #tpu.memory_space<vmem_shared>>
      tpu.wait_indirect_dma semaphore(%run_scoped3A_196 : memref<!tpu.dma_semaphore, #tpu.memory_space<semaphore_mem>>) src(%dma_wait3A_210 : memref<128x128xf32, #tpu.memory_space<vmem>>) dst(%dma_wait3A_216 : memref<10000x128xf32, #tpu.memory_space<vmem_shared>>)
      tpu.yield
    }) : () -> ()
    %add3A_124 = arith.constant 9728 : i32
    %add3A_125 = arith.addi %mul3A_2, %add3A_124 : i32
    %dma_wait3A_126 = arith.constant 1 : i32
    %dma_wait3A_127 = arith.constant 0 : i32
    %dma_wait3A_128 = arith.constant 0 : i32
    %dma_wait3A_129 = tpu.memref_slice %arg7[%dma_wait3A_126, %dma_wait3A_127, %dma_wait3A_128] : memref<3x128x128xf32, #tpu.memory_space<vmem>> -> memref<1x128x128xf32, #tpu.memory_space<vmem>>
    %dma_wait3A_130 = tpu.memref_squeeze %dma_wait3A_129 : memref<1x128x128xf32, #tpu.memory_space<vmem>> -> memref<128x128xf32, #tpu.memory_space<vmem>>
    %dma_wait3A_131 = arith.constant 0 : i32
    %dma_wait3A_132 = tpu.memref_slice %arg3[%add3A_125, %dma_wait3A_131] : memref<320000x128xf32, #tpu.memory_space<hbm>> -> memref<128x128xf32, #tpu.memory_space<hbm>>
    %dma_wait3A_133 = arith.constant 0 : i32
    %dma_wait3A_134 = arith.constant 0 : i32
    %dma_wait3A_135 = tpu.memref_slice %arg7[%dma_wait3A_126, %dma_wait3A_133, %dma_wait3A_134] : memref<3x128x128xf32, #tpu.memory_space<vmem>> -> memref<1x128x128xf32, #tpu.memory_space<vmem>>
    %dma_wait3A_136 = tpu.memref_squeeze %dma_wait3A_135 : memref<1x128x128xf32, #tpu.memory_space<vmem>> -> memref<128x128xf32, #tpu.memory_space<vmem>>
    %dma_wait3A_137 = arith.constant 0 : i32
    %dma_wait3A_138 = tpu.memref_slice %arg3[%add3A_125, %dma_wait3A_137] : memref<320000x128xf32, #tpu.memory_space<hbm>> -> memref<128x128xf32, #tpu.memory_space<hbm>>
    tpu.wait_dma2 semaphore(%arg10 : memref<!tpu.dma_semaphore, #tpu.memory_space<semaphore_mem>>) src(%dma_wait3A_138 : memref<128x128xf32, #tpu.memory_space<hbm>>) dst(%dma_wait3A_136 : memref<128x128xf32, #tpu.memory_space<vmem>>)
    %dma_wait3A_139 = arith.constant 1 : i32
    %dma_wait3A_140 = arith.constant 0 : i32
    %dma_wait3A_141 = arith.constant 0 : i32
    %dma_wait3A_142 = tpu.memref_slice %arg8[%dma_wait3A_139, %dma_wait3A_140, %dma_wait3A_141] : memref<3x2x128xi32, #tpu.memory_space<vmem>> -> memref<1x2x128xi32, #tpu.memory_space<vmem>>
    %dma_wait3A_143 = tpu.memref_squeeze %dma_wait3A_142 : memref<1x2x128xi32, #tpu.memory_space<vmem>> -> memref<2x128xi32, #tpu.memory_space<vmem>>
    %dma_wait3A_144 = arith.constant 0 : i32
    %dma_wait3A_145 = tpu.memref_slice %arg2[%dma_wait3A_144, %add3A_125] : memref<2x320000xi32, #tpu.memory_space<hbm>> -> memref<2x128xi32, #tpu.memory_space<hbm>>
    %dma_wait3A_146 = arith.constant 0 : i32
    %dma_wait3A_147 = arith.constant 0 : i32
    %dma_wait3A_148 = tpu.memref_slice %arg8[%dma_wait3A_139, %dma_wait3A_146, %dma_wait3A_147] : memref<3x2x128xi32, #tpu.memory_space<vmem>> -> memref<1x2x128xi32, #tpu.memory_space<vmem>>
    %dma_wait3A_149 = tpu.memref_squeeze %dma_wait3A_148 : memref<1x2x128xi32, #tpu.memory_space<vmem>> -> memref<2x128xi32, #tpu.memory_space<vmem>>
    %dma_wait3A_150 = arith.constant 0 : i32
    %dma_wait3A_151 = tpu.memref_slice %arg2[%dma_wait3A_150, %add3A_125] : memref<2x320000xi32, #tpu.memory_space<hbm>> -> memref<2x128xi32, #tpu.memory_space<hbm>>
    tpu.wait_dma2 semaphore(%arg10 : memref<!tpu.dma_semaphore, #tpu.memory_space<semaphore_mem>>) src(%dma_wait3A_151 : memref<2x128xi32, #tpu.memory_space<hbm>>) dst(%dma_wait3A_149 : memref<2x128xi32, #tpu.memory_space<vmem>>)
    %run_scoped3A_152 = arith.constant 1 : i32
    %run_scoped3A_153 = arith.constant 1 : i32
    %run_scoped3A_154 = arith.constant 1 : i32
    "tpu.region"() ({
      %run_scoped3A_196 = tpu.sem_alloc : memref<!tpu.dma_semaphore, #tpu.memory_space<semaphore_mem>>
      %dma_start3A_197 = arith.constant 0 : i32
      %dma_start3A_198 = arith.constant 0 : i32
      %dma_start3A_199 = tpu.memref_slice %arg7[%run_scoped3A_152, %dma_start3A_197, %dma_start3A_198] : memref<3x128x128xf32, #tpu.memory_space<vmem>> -> memref<1x128x128xf32, #tpu.memory_space<vmem>>
      %dma_start3A_200 = tpu.memref_squeeze %dma_start3A_199 : memref<1x128x128xf32, #tpu.memory_space<vmem>> -> memref<128x128xf32, #tpu.memory_space<vmem>>
      %dma_start3A_201 = arith.constant 0 : i32
      %dma_start3A_202 = tpu.memref_slice %arg8[%run_scoped3A_153, %run_scoped3A_154, %dma_start3A_201] : memref<3x2x128xi32, #tpu.memory_space<vmem>> -> memref<1x1x128xi32, #tpu.memory_space<vmem>>
      %dma_start3A_203 = tpu.memref_squeeze %dma_start3A_202 : memref<1x1x128xi32, #tpu.memory_space<vmem>> -> memref<128xi32, #tpu.memory_space<vmem>>
      %dma_start3A_204 = arith.constant 0 : i32
      %dma_start3A_205 = arith.constant 0 : i32
      %dma_start3A_206 = tpu.memref_slice %arg6[%dma_start3A_204, %dma_start3A_205] : memref<10000x128xf32, #tpu.memory_space<vmem_shared>> -> memref<10000x128xf32, #tpu.memory_space<vmem_shared>>
      tpu.enqueue_indirect_dma source(%dma_start3A_200 : memref<128x128xf32, #tpu.memory_space<vmem>>) target(%dma_start3A_206 : memref<10000x128xf32, #tpu.memory_space<vmem_shared>>) offsets(%dma_start3A_203 : memref<128xi32, #tpu.memory_space<vmem>>) semaphore(%run_scoped3A_196 : memref<!tpu.dma_semaphore, #tpu.memory_space<semaphore_mem>>) {add = true}
      %dma_wait3A_207 = arith.constant 0 : i32
      %dma_wait3A_208 = arith.constant 0 : i32
      %dma_wait3A_209 = tpu.memref_slice %arg7[%run_scoped3A_152, %dma_wait3A_207, %dma_wait3A_208] : memref<3x128x128xf32, #tpu.memory_space<vmem>> -> memref<1x128x128xf32, #tpu.memory_space<vmem>>
      %dma_wait3A_210 = tpu.memref_squeeze %dma_wait3A_209 : memref<1x128x128xf32, #tpu.memory_space<vmem>> -> memref<128x128xf32, #tpu.memory_space<vmem>>
      %dma_wait3A_211 = arith.constant 0 : i32
      %dma_wait3A_212 = tpu.memref_slice %arg8[%run_scoped3A_153, %run_scoped3A_154, %dma_wait3A_211] : memref<3x2x128xi32, #tpu.memory_space<vmem>> -> memref<1x1x128xi32, #tpu.memory_space<vmem>>
      %dma_wait3A_213 = tpu.memref_squeeze %dma_wait3A_212 : memref<1x1x128xi32, #tpu.memory_space<vmem>> -> memref<128xi32, #tpu.memory_space<vmem>>
      %dma_wait3A_214 = arith.constant 0 : i32
      %dma_wait3A_215 = arith.constant 0 : i32
      %dma_wait3A_216 = tpu.memref_slice %arg6[%dma_wait3A_214, %dma_wait3A_215] : memref<10000x128xf32, #tpu.memory_space<vmem_shared>> -> memref<10000x128xf32, #tpu.memory_space<vmem_shared>>
      tpu.wait_indirect_dma semaphore(%run_scoped3A_196 : memref<!tpu.dma_semaphore, #tpu.memory_space<semaphore_mem>>) src(%dma_wait3A_210 : memref<128x128xf32, #tpu.memory_space<vmem>>) dst(%dma_wait3A_216 : memref<10000x128xf32, #tpu.memory_space<vmem_shared>>)
      tpu.yield
    }) : () -> ()
    %add3A_155 = arith.constant 9856 : i32
    %add3A_156 = arith.addi %mul3A_2, %add3A_155 : i32
    %dma_wait3A_157 = arith.constant 2 : i32
    %dma_wait3A_158 = arith.constant 0 : i32
    %dma_wait3A_159 = arith.constant 0 : i32
    %dma_wait3A_160 = tpu.memref_slice %arg7[%dma_wait3A_157, %dma_wait3A_158, %dma_wait3A_159] : memref<3x128x128xf32, #tpu.memory_space<vmem>> -> memref<1x128x128xf32, #tpu.memory_space<vmem>>
    %dma_wait3A_161 = tpu.memref_squeeze %dma_wait3A_160 : memref<1x128x128xf32, #tpu.memory_space<vmem>> -> memref<128x128xf32, #tpu.memory_space<vmem>>
    %dma_wait3A_162 = arith.constant 0 : i32
    %dma_wait3A_163 = tpu.memref_slice %arg3[%add3A_156, %dma_wait3A_162] : memref<320000x128xf32, #tpu.memory_space<hbm>> -> memref<128x128xf32, #tpu.memory_space<hbm>>
    %dma_wait3A_164 = arith.constant 0 : i32
    %dma_wait3A_165 = arith.constant 0 : i32
    %dma_wait3A_166 = tpu.memref_slice %arg7[%dma_wait3A_157, %dma_wait3A_164, %dma_wait3A_165] : memref<3x128x128xf32, #tpu.memory_space<vmem>> -> memref<1x128x128xf32, #tpu.memory_space<vmem>>
    %dma_wait3A_167 = tpu.memref_squeeze %dma_wait3A_166 : memref<1x128x128xf32, #tpu.memory_space<vmem>> -> memref<128x128xf32, #tpu.memory_space<vmem>>
    %dma_wait3A_168 = arith.constant 0 : i32
    %dma_wait3A_169 = tpu.memref_slice %arg3[%add3A_156, %dma_wait3A_168] : memref<320000x128xf32, #tpu.memory_space<hbm>> -> memref<128x128xf32, #tpu.memory_space<hbm>>
    tpu.wait_dma2 semaphore(%arg11 : memref<!tpu.dma_semaphore, #tpu.memory_space<semaphore_mem>>) src(%dma_wait3A_169 : memref<128x128xf32, #tpu.memory_space<hbm>>) dst(%dma_wait3A_167 : memref<128x128xf32, #tpu.memory_space<vmem>>)
    %dma_wait3A_170 = arith.constant 2 : i32
    %dma_wait3A_171 = arith.constant 0 : i32
    %dma_wait3A_172 = arith.constant 0 : i32
    %dma_wait3A_173 = tpu.memref_slice %arg8[%dma_wait3A_170, %dma_wait3A_171, %dma_wait3A_172] : memref<3x2x128xi32, #tpu.memory_space<vmem>> -> memref<1x2x128xi32, #tpu.memory_space<vmem>>
    %dma_wait3A_174 = tpu.memref_squeeze %dma_wait3A_173 : memref<1x2x128xi32, #tpu.memory_space<vmem>> -> memref<2x128xi32, #tpu.memory_space<vmem>>
    %dma_wait3A_175 = arith.constant 0 : i32
    %dma_wait3A_176 = tpu.memref_slice %arg2[%dma_wait3A_175, %add3A_156] : memref<2x320000xi32, #tpu.memory_space<hbm>> -> memref<2x128xi32, #tpu.memory_space<hbm>>
    %dma_wait3A_177 = arith.constant 0 : i32
    %dma_wait3A_178 = arith.constant 0 : i32
    %dma_wait3A_179 = tpu.memref_slice %arg8[%dma_wait3A_170, %dma_wait3A_177, %dma_wait3A_178] : memref<3x2x128xi32, #tpu.memory_space<vmem>> -> memref<1x2x128xi32, #tpu.memory_space<vmem>>
    %dma_wait3A_180 = tpu.memref_squeeze %dma_wait3A_179 : memref<1x2x128xi32, #tpu.memory_space<vmem>> -> memref<2x128xi32, #tpu.memory_space<vmem>>
    %dma_wait3A_181 = arith.constant 0 : i32
    %dma_wait3A_182 = tpu.memref_slice %arg2[%dma_wait3A_181, %add3A_156] : memref<2x320000xi32, #tpu.memory_space<hbm>> -> memref<2x128xi32, #tpu.memory_space<hbm>>
    tpu.wait_dma2 semaphore(%arg11 : memref<!tpu.dma_semaphore, #tpu.memory_space<semaphore_mem>>) src(%dma_wait3A_182 : memref<2x128xi32, #tpu.memory_space<hbm>>) dst(%dma_wait3A_180 : memref<2x128xi32, #tpu.memory_space<vmem>>)
    %run_scoped3A_183 = arith.constant 2 : i32
    %run_scoped3A_184 = arith.constant 2 : i32
    %run_scoped3A_185 = arith.constant 1 : i32
    "tpu.region"() ({
      %run_scoped3A_196 = tpu.sem_alloc : memref<!tpu.dma_semaphore, #tpu.memory_space<semaphore_mem>>
      %dma_start3A_197 = arith.constant 0 : i32
      %dma_start3A_198 = arith.constant 0 : i32
      %dma_start3A_199 = tpu.memref_slice %arg7[%run_scoped3A_183, %dma_start3A_197, %dma_start3A_198] : memref<3x128x128xf32, #tpu.memory_space<vmem>> -> memref<1x128x128xf32, #tpu.memory_space<vmem>>
      %dma_start3A_200 = tpu.memref_squeeze %dma_start3A_199 : memref<1x128x128xf32, #tpu.memory_space<vmem>> -> memref<128x128xf32, #tpu.memory_space<vmem>>
      %dma_start3A_201 = arith.constant 0 : i32
      %dma_start3A_202 = tpu.memref_slice %arg8[%run_scoped3A_184, %run_scoped3A_185, %dma_start3A_201] : memref<3x2x128xi32, #tpu.memory_space<vmem>> -> memref<1x1x128xi32, #tpu.memory_space<vmem>>
      %dma_start3A_203 = tpu.memref_squeeze %dma_start3A_202 : memref<1x1x128xi32, #tpu.memory_space<vmem>> -> memref<128xi32, #tpu.memory_space<vmem>>
      %dma_start3A_204 = arith.constant 0 : i32
      %dma_start3A_205 = arith.constant 0 : i32
      %dma_start3A_206 = tpu.memref_slice %arg6[%dma_start3A_204, %dma_start3A_205] : memref<10000x128xf32, #tpu.memory_space<vmem_shared>> -> memref<10000x128xf32, #tpu.memory_space<vmem_shared>>
      tpu.enqueue_indirect_dma source(%dma_start3A_200 : memref<128x128xf32, #tpu.memory_space<vmem>>) target(%dma_start3A_206 : memref<10000x128xf32, #tpu.memory_space<vmem_shared>>) offsets(%dma_start3A_203 : memref<128xi32, #tpu.memory_space<vmem>>) semaphore(%run_scoped3A_196 : memref<!tpu.dma_semaphore, #tpu.memory_space<semaphore_mem>>) {add = true}
      %dma_wait3A_207 = arith.constant 0 : i32
      %dma_wait3A_208 = arith.constant 0 : i32
      %dma_wait3A_209 = tpu.memref_slice %arg7[%run_scoped3A_183, %dma_wait3A_207, %dma_wait3A_208] : memref<3x128x128xf32, #tpu.memory_space<vmem>> -> memref<1x128x128xf32, #tpu.memory_space<vmem>>
      %dma_wait3A_210 = tpu.memref_squeeze %dma_wait3A_209 : memref<1x128x128xf32, #tpu.memory_space<vmem>> -> memref<128x128xf32, #tpu.memory_space<vmem>>
      %dma_wait3A_211 = arith.constant 0 : i32
      %dma_wait3A_212 = tpu.memref_slice %arg8[%run_scoped3A_184, %run_scoped3A_185, %dma_wait3A_211] : memref<3x2x128xi32, #tpu.memory_space<vmem>> -> memref<1x1x128xi32, #tpu.memory_space<vmem>>
      %dma_wait3A_213 = tpu.memref_squeeze %dma_wait3A_212 : memref<1x1x128xi32, #tpu.memory_space<vmem>> -> memref<128xi32, #tpu.memory_space<vmem>>
      %dma_wait3A_214 = arith.constant 0 : i32
      %dma_wait3A_215 = arith.constant 0 : i32
      %dma_wait3A_216 = tpu.memref_slice %arg6[%dma_wait3A_214, %dma_wait3A_215] : memref<10000x128xf32, #tpu.memory_space<vmem_shared>> -> memref<10000x128xf32, #tpu.memory_space<vmem_shared>>
      tpu.wait_indirect_dma semaphore(%run_scoped3A_196 : memref<!tpu.dma_semaphore, #tpu.memory_space<semaphore_mem>>) src(%dma_wait3A_210 : memref<128x128xf32, #tpu.memory_space<vmem>>) dst(%dma_wait3A_216 : memref<10000x128xf32, #tpu.memory_space<vmem_shared>>)
      tpu.yield
    }) : () -> ()
    %lt3A = arith.constant 4 : i32
    %lt3A_186 = arith.cmpi slt, %add3A, %lt3A : i32
    %convert_element_type3A_187 = arith.extui %lt3A_186 : i1 to i32
    %cond3A_188 = arith.constant 0 : i32
    %cond3A_189 = arith.cmpi ne, %convert_element_type3A_187, %cond3A_188 : i32
    scf.if %cond3A_189 {
      %mul3A_196 = arith.constant 128 : i32
      %mul3A_197 = arith.muli %add3A, %mul3A_196 : i32
      %add3A_198 = arith.constant 319488 : i32
      %add3A_199 = arith.addi %add3A_198, %mul3A_197 : i32
      %dma_start3A_200 = arith.constant 0 : i32
      %dma_start3A_201 = arith.constant 0 : i32
      %dma_start3A_202 = arith.constant 0 : i32
      %dma_start3A_203 = tpu.memref_slice %arg7[%dma_start3A_200, %dma_start3A_201, %dma_start3A_202] : memref<3x128x128xf32, #tpu.memory_space<vmem>> -> memref<1x128x128xf32, #tpu.memory_space<vmem>>
      %dma_start3A_204 = tpu.memref_squeeze %dma_start3A_203 : memref<1x128x128xf32, #tpu.memory_space<vmem>> -> memref<128x128xf32, #tpu.memory_space<vmem>>
      %dma_start3A_205 = arith.constant 0 : i32
      %dma_start3A_206 = tpu.memref_slice %arg3[%add3A_199, %dma_start3A_205] : memref<320000x128xf32, #tpu.memory_space<hbm>> -> memref<128x128xf32, #tpu.memory_space<hbm>>
      %dma_start3A_207 = arith.constant 0 : i32
      %dma_start3A_208 = arith.constant 0 : i32
      %dma_start3A_209 = tpu.memref_slice %arg7[%dma_start3A_200, %dma_start3A_207, %dma_start3A_208] : memref<3x128x128xf32, #tpu.memory_space<vmem>> -> memref<1x128x128xf32, #tpu.memory_space<vmem>>
      %dma_start3A_210 = tpu.memref_squeeze %dma_start3A_209 : memref<1x128x128xf32, #tpu.memory_space<vmem>> -> memref<128x128xf32, #tpu.memory_space<vmem>>
      %dma_start3A_211 = arith.constant 0 : i32
      %dma_start3A_212 = tpu.memref_slice %arg3[%add3A_199, %dma_start3A_211] : memref<320000x128xf32, #tpu.memory_space<hbm>> -> memref<128x128xf32, #tpu.memory_space<hbm>>
      tpu.enqueue_dma source(%dma_start3A_212 : memref<128x128xf32, #tpu.memory_space<hbm>>) target(%dma_start3A_210 : memref<128x128xf32, #tpu.memory_space<vmem>>) target_semaphore(%arg9 : memref<!tpu.dma_semaphore, #tpu.memory_space<semaphore_mem>>)
      %dma_start3A_213 = arith.constant 0 : i32
      %dma_start3A_214 = arith.constant 0 : i32
      %dma_start3A_215 = arith.constant 0 : i32
      %dma_start3A_216 = tpu.memref_slice %arg8[%dma_start3A_213, %dma_start3A_214, %dma_start3A_215] : memref<3x2x128xi32, #tpu.memory_space<vmem>> -> memref<1x2x128xi32, #tpu.memory_space<vmem>>
      %dma_start3A_217 = tpu.memref_squeeze %dma_start3A_216 : memref<1x2x128xi32, #tpu.memory_space<vmem>> -> memref<2x128xi32, #tpu.memory_space<vmem>>
      %dma_start3A_218 = arith.constant 0 : i32
      %dma_start3A_219 = tpu.memref_slice %arg2[%dma_start3A_218, %add3A_199] : memref<2x320000xi32, #tpu.memory_space<hbm>> -> memref<2x128xi32, #tpu.memory_space<hbm>>
      %dma_start3A_220 = arith.constant 0 : i32
      %dma_start3A_221 = arith.constant 0 : i32
      %dma_start3A_222 = tpu.memref_slice %arg8[%dma_start3A_213, %dma_start3A_220, %dma_start3A_221] : memref<3x2x128xi32, #tpu.memory_space<vmem>> -> memref<1x2x128xi32, #tpu.memory_space<vmem>>
      %dma_start3A_223 = tpu.memref_squeeze %dma_start3A_222 : memref<1x2x128xi32, #tpu.memory_space<vmem>> -> memref<2x128xi32, #tpu.memory_space<vmem>>
      %dma_start3A_224 = arith.constant 0 : i32
      %dma_start3A_225 = tpu.memref_slice %arg2[%dma_start3A_224, %add3A_199] : memref<2x320000xi32, #tpu.memory_space<hbm>> -> memref<2x128xi32, #tpu.memory_space<hbm>>
      tpu.enqueue_dma source(%dma_start3A_225 : memref<2x128xi32, #tpu.memory_space<hbm>>) target(%dma_start3A_223 : memref<2x128xi32, #tpu.memory_space<vmem>>) target_semaphore(%arg9 : memref<!tpu.dma_semaphore, #tpu.memory_space<semaphore_mem>>)
      %dma_wait3A_226 = arith.constant 0 : i32
      %dma_wait3A_227 = arith.constant 0 : i32
      %dma_wait3A_228 = arith.constant 0 : i32
      %dma_wait3A_229 = tpu.memref_slice %arg7[%dma_wait3A_226, %dma_wait3A_227, %dma_wait3A_228] : memref<3x128x128xf32, #tpu.memory_space<vmem>> -> memref<1x128x128xf32, #tpu.memory_space<vmem>>
      %dma_wait3A_230 = tpu.memref_squeeze %dma_wait3A_229 : memref<1x128x128xf32, #tpu.memory_space<vmem>> -> memref<128x128xf32, #tpu.memory_space<vmem>>
      %dma_wait3A_231 = arith.constant 0 : i32
      %dma_wait3A_232 = tpu.memref_slice %arg3[%add3A_199, %dma_wait3A_231] : memref<320000x128xf32, #tpu.memory_space<hbm>> -> memref<128x128xf32, #tpu.memory_space<hbm>>
      %dma_wait3A_233 = arith.constant 0 : i32
      %dma_wait3A_234 = arith.constant 0 : i32
      %dma_wait3A_235 = tpu.memref_slice %arg7[%dma_wait3A_226, %dma_wait3A_233, %dma_wait3A_234] : memref<3x128x128xf32, #tpu.memory_space<vmem>> -> memref<1x128x128xf32, #tpu.memory_space<vmem>>
      %dma_wait3A_236 = tpu.memref_squeeze %dma_wait3A_235 : memref<1x128x128xf32, #tpu.memory_space<vmem>> -> memref<128x128xf32, #tpu.memory_space<vmem>>
      %dma_wait3A_237 = arith.constant 0 : i32
      %dma_wait3A_238 = tpu.memref_slice %arg3[%add3A_199, %dma_wait3A_237] : memref<320000x128xf32, #tpu.memory_space<hbm>> -> memref<128x128xf32, #tpu.memory_space<hbm>>
      tpu.wait_dma2 semaphore(%arg9 : memref<!tpu.dma_semaphore, #tpu.memory_space<semaphore_mem>>) src(%dma_wait3A_238 : memref<128x128xf32, #tpu.memory_space<hbm>>) dst(%dma_wait3A_236 : memref<128x128xf32, #tpu.memory_space<vmem>>)
      %dma_wait3A_239 = arith.constant 0 : i32
      %dma_wait3A_240 = arith.constant 0 : i32
      %dma_wait3A_241 = arith.constant 0 : i32
      %dma_wait3A_242 = tpu.memref_slice %arg8[%dma_wait3A_239, %dma_wait3A_240, %dma_wait3A_241] : memref<3x2x128xi32, #tpu.memory_space<vmem>> -> memref<1x2x128xi32, #tpu.memory_space<vmem>>
      %dma_wait3A_243 = tpu.memref_squeeze %dma_wait3A_242 : memref<1x2x128xi32, #tpu.memory_space<vmem>> -> memref<2x128xi32, #tpu.memory_space<vmem>>
      %dma_wait3A_244 = arith.constant 0 : i32
      %dma_wait3A_245 = tpu.memref_slice %arg2[%dma_wait3A_244, %add3A_199] : memref<2x320000xi32, #tpu.memory_space<hbm>> -> memref<2x128xi32, #tpu.memory_space<hbm>>
      %dma_wait3A_246 = arith.constant 0 : i32
      %dma_wait3A_247 = arith.constant 0 : i32
      %dma_wait3A_248 = tpu.memref_slice %arg8[%dma_wait3A_239, %dma_wait3A_246, %dma_wait3A_247] : memref<3x2x128xi32, #tpu.memory_space<vmem>> -> memref<1x2x128xi32, #tpu.memory_space<vmem>>
      %dma_wait3A_249 = tpu.memref_squeeze %dma_wait3A_248 : memref<1x2x128xi32, #tpu.memory_space<vmem>> -> memref<2x128xi32, #tpu.memory_space<vmem>>
      %dma_wait3A_250 = arith.constant 0 : i32
      %dma_wait3A_251 = tpu.memref_slice %arg2[%dma_wait3A_250, %add3A_199] : memref<2x320000xi32, #tpu.memory_space<hbm>> -> memref<2x128xi32, #tpu.memory_space<hbm>>
      tpu.wait_dma2 semaphore(%arg9 : memref<!tpu.dma_semaphore, #tpu.memory_space<semaphore_mem>>) src(%dma_wait3A_251 : memref<2x128xi32, #tpu.memory_space<hbm>>) dst(%dma_wait3A_249 : memref<2x128xi32, #tpu.memory_space<vmem>>)
      %run_scoped3A_252 = arith.constant 0 : i32
      %run_scoped3A_253 = arith.constant 0 : i32
      %run_scoped3A_254 = arith.constant 1 : i32
      "tpu.region"() ({
        %run_scoped3A_255 = tpu.sem_alloc : memref<!tpu.dma_semaphore, #tpu.memory_space<semaphore_mem>>
        %dma_start3A_256 = arith.constant 0 : i32
        %dma_start3A_257 = arith.constant 0 : i32
        %dma_start3A_258 = tpu.memref_slice %arg7[%run_scoped3A_252, %dma_start3A_256, %dma_start3A_257] : memref<3x128x128xf32, #tpu.memory_space<vmem>> -> memref<1x128x128xf32, #tpu.memory_space<vmem>>
        %dma_start3A_259 = tpu.memref_squeeze %dma_start3A_258 : memref<1x128x128xf32, #tpu.memory_space<vmem>> -> memref<128x128xf32, #tpu.memory_space<vmem>>
        %dma_start3A_260 = arith.constant 0 : i32
        %dma_start3A_261 = tpu.memref_slice %arg8[%run_scoped3A_253, %run_scoped3A_254, %dma_start3A_260] : memref<3x2x128xi32, #tpu.memory_space<vmem>> -> memref<1x1x128xi32, #tpu.memory_space<vmem>>
        %dma_start3A_262 = tpu.memref_squeeze %dma_start3A_261 : memref<1x1x128xi32, #tpu.memory_space<vmem>> -> memref<128xi32, #tpu.memory_space<vmem>>
        %dma_start3A_263 = arith.constant 0 : i32
        %dma_start3A_264 = arith.constant 0 : i32
        %dma_start3A_265 = tpu.memref_slice %arg6[%dma_start3A_263, %dma_start3A_264] : memref<10000x128xf32, #tpu.memory_space<vmem_shared>> -> memref<10000x128xf32, #tpu.memory_space<vmem_shared>>
        tpu.enqueue_indirect_dma source(%dma_start3A_259 : memref<128x128xf32, #tpu.memory_space<vmem>>) target(%dma_start3A_265 : memref<10000x128xf32, #tpu.memory_space<vmem_shared>>) offsets(%dma_start3A_262 : memref<128xi32, #tpu.memory_space<vmem>>) semaphore(%run_scoped3A_255 : memref<!tpu.dma_semaphore, #tpu.memory_space<semaphore_mem>>) {add = true}
        %dma_wait3A_266 = arith.constant 0 : i32
        %dma_wait3A_267 = arith.constant 0 : i32
        %dma_wait3A_268 = tpu.memref_slice %arg7[%run_scoped3A_252, %dma_wait3A_266, %dma_wait3A_267] : memref<3x128x128xf32, #tpu.memory_space<vmem>> -> memref<1x128x128xf32, #tpu.memory_space<vmem>>
        %dma_wait3A_269 = tpu.memref_squeeze %dma_wait3A_268 : memref<1x128x128xf32, #tpu.memory_space<vmem>> -> memref<128x128xf32, #tpu.memory_space<vmem>>
        %dma_wait3A_270 = arith.constant 0 : i32
        %dma_wait3A_271 = tpu.memref_slice %arg8[%run_scoped3A_253, %run_scoped3A_254, %dma_wait3A_270] : memref<3x2x128xi32, #tpu.memory_space<vmem>> -> memref<1x1x128xi32, #tpu.memory_space<vmem>>
        %dma_wait3A_272 = tpu.memref_squeeze %dma_wait3A_271 : memref<1x1x128xi32, #tpu.memory_space<vmem>> -> memref<128xi32, #tpu.memory_space<vmem>>
        %dma_wait3A_273 = arith.constant 0 : i32
        %dma_wait3A_274 = arith.constant 0 : i32
        %dma_wait3A_275 = tpu.memref_slice %arg6[%dma_wait3A_273, %dma_wait3A_274] : memref<10000x128xf32, #tpu.memory_space<vmem_shared>> -> memref<10000x128xf32, #tpu.memory_space<vmem_shared>>
        tpu.wait_indirect_dma semaphore(%run_scoped3A_255 : memref<!tpu.dma_semaphore, #tpu.memory_space<semaphore_mem>>) src(%dma_wait3A_269 : memref<128x128xf32, #tpu.memory_space<vmem>>) dst(%dma_wait3A_275 : memref<10000x128xf32, #tpu.memory_space<vmem_shared>>)
        tpu.yield
      }) : () -> ()
    } else {
    }
    %barrier3A_190 = arith.constant 0 : index
    tpu.barrier barrier_id(%barrier3A_190)
    "tpu.region"() ({
      %run_scoped3A_196 = tpu.sem_alloc : memref<!tpu.dma_semaphore, #tpu.memory_space<semaphore_mem>>
      %dma_start3A_197 = arith.constant 0 : i32
      %dma_start3A_198 = tpu.memref_slice %arg5[%arg0, %mul3A_4, %dma_start3A_197] : memref<2x10000x128xf32, #tpu.memory_space<hbm>> -> memref<1x624x128xf32, #tpu.memory_space<hbm>>
      %dma_start3A_199 = tpu.memref_squeeze %dma_start3A_198 : memref<1x624x128xf32, #tpu.memory_space<hbm>> -> memref<624x128xf32, #tpu.memory_space<hbm>>
      %dma_start3A_200 = arith.constant 0 : i32
      %dma_start3A_201 = tpu.memref_slice %arg6[%mul3A_4, %dma_start3A_200] : memref<10000x128xf32, #tpu.memory_space<vmem_shared>> -> memref<624x128xf32, #tpu.memory_space<vmem_shared>>
      tpu.enqueue_dma source(%dma_start3A_201 : memref<624x128xf32, #tpu.memory_space<vmem_shared>>) target(%dma_start3A_199 : memref<624x128xf32, #tpu.memory_space<hbm>>) target_semaphore(%run_scoped3A_196 : memref<!tpu.dma_semaphore, #tpu.memory_space<semaphore_mem>>)
      %dma_wait3A_202 = arith.constant 0 : i32
      %dma_wait3A_203 = tpu.memref_slice %arg5[%arg0, %mul3A_4, %dma_wait3A_202] : memref<2x10000x128xf32, #tpu.memory_space<hbm>> -> memref<1x624x128xf32, #tpu.memory_space<hbm>>
      %dma_wait3A_204 = tpu.memref_squeeze %dma_wait3A_203 : memref<1x624x128xf32, #tpu.memory_space<hbm>> -> memref<624x128xf32, #tpu.memory_space<hbm>>
      %dma_wait3A_205 = arith.constant 0 : i32
      %dma_wait3A_206 = tpu.memref_slice %arg6[%mul3A_4, %dma_wait3A_205] : memref<10000x128xf32, #tpu.memory_space<vmem_shared>> -> memref<624x128xf32, #tpu.memory_space<vmem_shared>>
      tpu.wait_dma2 semaphore(%run_scoped3A_196 : memref<!tpu.dma_semaphore, #tpu.memory_space<semaphore_mem>>) src(%dma_wait3A_206 : memref<624x128xf32, #tpu.memory_space<vmem_shared>>) dst(%dma_wait3A_204 : memref<624x128xf32, #tpu.memory_space<hbm>>)
      tpu.yield
    }) : () -> ()
    %eq3A_191 = arith.constant 15 : i32
    %eq3A_192 = arith.cmpi eq, %arg1, %eq3A_191 : i32
    %convert_element_type3A_193 = arith.extui %eq3A_192 : i1 to i32
    %cond3A_194 = arith.constant 0 : i32
    %cond3A_195 = arith.cmpi ne, %convert_element_type3A_193, %cond3A_194 : i32
    scf.if %cond3A_195 {
      "tpu.region"() ({
        %run_scoped3A_196 = tpu.sem_alloc : memref<!tpu.dma_semaphore, #tpu.memory_space<semaphore_mem>>
        %dma_start3A_197 = arith.constant 9984 : i32
        %dma_start3A_198 = arith.constant 0 : i32
        %dma_start3A_199 = tpu.memref_slice %arg5[%arg0, %dma_start3A_197, %dma_start3A_198] : memref<2x10000x128xf32, #tpu.memory_space<hbm>> -> memref<1x16x128xf32, #tpu.memory_space<hbm>>
        %dma_start3A_200 = tpu.memref_squeeze %dma_start3A_199 : memref<1x16x128xf32, #tpu.memory_space<hbm>> -> memref<16x128xf32, #tpu.memory_space<hbm>>
        %dma_start3A_201 = arith.constant 9984 : i32
        %dma_start3A_202 = arith.constant 0 : i32
        %dma_start3A_203 = tpu.memref_slice %arg6[%dma_start3A_201, %dma_start3A_202] : memref<10000x128xf32, #tpu.memory_space<vmem_shared>> -> memref<16x128xf32, #tpu.memory_space<vmem_shared>>
        tpu.enqueue_dma source(%dma_start3A_203 : memref<16x128xf32, #tpu.memory_space<vmem_shared>>) target(%dma_start3A_200 : memref<16x128xf32, #tpu.memory_space<hbm>>) target_semaphore(%run_scoped3A_196 : memref<!tpu.dma_semaphore, #tpu.memory_space<semaphore_mem>>)
        %dma_wait3A_204 = arith.constant 9984 : i32
        %dma_wait3A_205 = arith.constant 0 : i32
        %dma_wait3A_206 = tpu.memref_slice %arg5[%arg0, %dma_wait3A_204, %dma_wait3A_205] : memref<2x10000x128xf32, #tpu.memory_space<hbm>> -> memref<1x16x128xf32, #tpu.memory_space<hbm>>
        %dma_wait3A_207 = tpu.memref_squeeze %dma_wait3A_206 : memref<1x16x128xf32, #tpu.memory_space<hbm>> -> memref<16x128xf32, #tpu.memory_space<hbm>>
        %dma_wait3A_208 = arith.constant 9984 : i32
        %dma_wait3A_209 = arith.constant 0 : i32
        %dma_wait3A_210 = tpu.memref_slice %arg6[%dma_wait3A_208, %dma_wait3A_209] : memref<10000x128xf32, #tpu.memory_space<vmem_shared>> -> memref<16x128xf32, #tpu.memory_space<vmem_shared>>
        tpu.wait_dma2 semaphore(%run_scoped3A_196 : memref<!tpu.dma_semaphore, #tpu.memory_space<semaphore_mem>>) src(%dma_wait3A_210 : memref<16x128xf32, #tpu.memory_space<vmem_shared>>) dst(%dma_wait3A_207 : memref<16x128xf32, #tpu.memory_space<hbm>>)
        tpu.yield
      }) : () -> ()
    } else {
    }
    return
  }
}

module attributes {stable_mosaic.version = 14 : i64} {
  func.func @_tc_pre_body(%arg0: i32, %arg1: memref<1000x128xf32, #tpu.memory_space<vmem>>, %arg2: memref<1000x128xf32, #tpu.memory_space<vmem>>, %arg3: memref<384x128xf32, #tpu.memory_space<vmem>>, %arg4: memref<1x128xf32, #tpu.memory_space<vmem>>, %arg5: memref<1000x128xf32, #tpu.memory_space<vmem>>) attributes {dimension_semantics = [#tpu.dimension_semantics<arbitrary>], iteration_bounds = array<i64: 10>, scalar_prefetch = 0 : i64, scratch_operands = 0 : i64, tpu.core_type = #tpu.core_type<tc>, window_params = [{transform_indices = @transform_0, window_bounds = array<i64: 1000, 128>}, {transform_indices = @transform_1, window_bounds = array<i64: 1000, 128>}, {pipeline_mode = #tpu.pipeline_mode<synchronous>, transform_indices = @transform_2, window_bounds = array<i64: 384, 128>}, {pipeline_mode = #tpu.pipeline_mode<synchronous>, transform_indices = @transform_3, window_bounds = array<i64: 1, 128>}, {transform_indices = @transform_4, window_bounds = array<i64: 1000, 128>}]} {
    %get3A = arith.constant 0 : index
    %get3A_0 = arith.constant 0 : index
    %get3A_1 = vector.load %arg1[%get3A, %get3A_0] : memref<1000x128xf32, #tpu.memory_space<vmem>>, vector<1000x128xf32>
    %get3A_2 = arith.constant 0 : index
    %get3A_3 = arith.constant 0 : index
    %get3A_4 = vector.load %arg3[%get3A_2, %get3A_3] : memref<384x128xf32, #tpu.memory_space<vmem>>, vector<128x128xf32>
    %dot_general3A = arith.constant dense<0.000000e+00> : vector<1000x128xf32>
    %dot_general3A_5 = tpu.matmul %get3A_1, %get3A_4, %dot_general3A {dimension_numbers = #tpu.dot_dimension_numbers<[1], [0], [0], [1], [0, 0, 1, 1], [], []>, transpose_lhs_hint = false} : vector<1000x128xf32>, vector<128x128xf32>, vector<1000x128xf32> -> vector<1000x128xf32>
    %get3A_6 = arith.constant 0 : index
    %get3A_7 = arith.constant 0 : index
    %get3A_8 = vector.load %arg2[%get3A_6, %get3A_7] : memref<1000x128xf32, #tpu.memory_space<vmem>>, vector<1000x128xf32>
    %get3A_9 = arith.constant 128 : index
    %get3A_10 = arith.constant 0 : index
    %get3A_11 = vector.load %arg3[%get3A_9, %get3A_10] : memref<384x128xf32, #tpu.memory_space<vmem>>, vector<128x128xf32>
    %dot_general3A_12 = arith.constant dense<0.000000e+00> : vector<1000x128xf32>
    %dot_general3A_13 = tpu.matmul %get3A_8, %get3A_11, %dot_general3A_12 {dimension_numbers = #tpu.dot_dimension_numbers<[1], [0], [0], [1], [0, 0, 1, 1], [], []>, transpose_lhs_hint = false} : vector<1000x128xf32>, vector<128x128xf32>, vector<1000x128xf32> -> vector<1000x128xf32>
    %add3A = arith.addf %dot_general3A_5, %dot_general3A_13 : vector<1000x128xf32>
    %get3A_14 = arith.constant 0 : index
    %get3A_15 = arith.constant 0 : index
    %get3A_16 = vector.load %arg4[%get3A_14, %get3A_15] : memref<1x128xf32, #tpu.memory_space<vmem>>, vector<1x128xf32>
    %add3A_17 = vector.broadcast %get3A_16 : vector<1x128xf32> to vector<1000x128xf32>
    %add3A_18 = arith.addf %add3A, %add3A_17 : vector<1000x128xf32>
    %swap3A = arith.constant 0 : index
    %swap3A_19 = arith.constant 0 : index
    %swap3A_20 = vector.load %arg5[%swap3A, %swap3A_19] : memref<1000x128xf32, #tpu.memory_space<vmem>>, vector<1000x128xf32>
    tpu.vector_store %arg5[%swap3A, %swap3A_19], %add3A_18 {strides = array<i32>} : memref<1000x128xf32, #tpu.memory_space<vmem>>, vector<1000x128xf32>,
    return
  }
  func.func @transform_0(%arg0: i32) -> (i32, i32) {
    %c0_i32 = arith.constant 0 : i32
    %c0_i32_0 = arith.constant 0 : i32
    return %arg0, %c0_i32 : i32, i32
  }
  func.func @transform_1(%arg0: i32) -> (i32, i32) {
    %c0_i32 = arith.constant 0 : i32
    %c0_i32_0 = arith.constant 0 : i32
    return %arg0, %c0_i32 : i32, i32
  }
  func.func @transform_2(%arg0: i32) -> (i32, i32) {
    %c0_i32 = arith.constant 0 : i32
    %c0_i32_0 = arith.constant 0 : i32
    %c0_i32_1 = arith.constant 0 : i32
    return %c0_i32, %c0_i32_0 : i32, i32
  }
  func.func @transform_3(%arg0: i32) -> (i32, i32) {
    %c0_i32 = arith.constant 0 : i32
    %c0_i32_0 = arith.constant 0 : i32
    %c0_i32_1 = arith.constant 0 : i32
    return %c0_i32, %c0_i32_0 : i32, i32
  }
  func.func @transform_4(%arg0: i32) -> (i32, i32) {
    %c0_i32 = arith.constant 0 : i32
    %c0_i32_0 = arith.constant 0 : i32
    return %arg0, %c0_i32 : i32, i32
  }
}

module attributes {stable_mosaic.version = 14 : i64} {
  func.func @_tc_post_body(%arg0: i32, %arg1: memref<1000x128xf32, #tpu.memory_space<vmem>>, %arg2: memref<2x1000x128xf32, #tpu.memory_space<vmem>>, %arg3: memref<384x128xf32, #tpu.memory_space<vmem>>, %arg4: memref<128x128xf32, #tpu.memory_space<vmem>>, %arg5: memref<1x128xf32, #tpu.memory_space<vmem>>, %arg6: memref<1000x128xf32, #tpu.memory_space<vmem>>) attributes {dimension_semantics = [#tpu.dimension_semantics<arbitrary>], iteration_bounds = array<i64: 10>, scalar_prefetch = 0 : i64, scratch_operands = 0 : i64, tpu.core_type = #tpu.core_type<tc>, window_params = [{transform_indices = @transform_0, window_bounds = array<i64: 1000, 128>}, {transform_indices = @transform_1, window_bounds = array<i64: 2, 1000, 128>}, {pipeline_mode = #tpu.pipeline_mode<synchronous>, transform_indices = @transform_2, window_bounds = array<i64: 384, 128>}, {pipeline_mode = #tpu.pipeline_mode<synchronous>, transform_indices = @transform_3, window_bounds = array<i64: 128, 128>}, {pipeline_mode = #tpu.pipeline_mode<synchronous>, transform_indices = @transform_4, window_bounds = array<i64: 1, 128>}, {transform_indices = @transform_5, window_bounds = array<i64: 1000, 128>}]} {
    %get3A = arith.constant 0 : index
    %get3A_0 = arith.constant 0 : index
    %get3A_1 = arith.constant 0 : index
    %get3A_2 = vector.load %arg2[%get3A, %get3A_0, %get3A_1] : memref<2x1000x128xf32, #tpu.memory_space<vmem>>, vector<1x1000x128xf32>
    %get3A_3 = vector.shape_cast %get3A_2 : vector<1x1000x128xf32> to vector<1000x128xf32>
    %get3A_4 = arith.constant 1 : index
    %get3A_5 = arith.constant 0 : index
    %get3A_6 = arith.constant 0 : index
    %get3A_7 = vector.load %arg2[%get3A_4, %get3A_5, %get3A_6] : memref<2x1000x128xf32, #tpu.memory_space<vmem>>, vector<1x1000x128xf32>
    %get3A_8 = vector.shape_cast %get3A_7 : vector<1x1000x128xf32> to vector<1000x128xf32>
    %add3A = arith.addf %get3A_3, %get3A_8 : vector<1000x128xf32>
    %get3A_9 = arith.constant 0 : index
    %get3A_10 = arith.constant 0 : index
    %get3A_11 = vector.load %arg1[%get3A_9, %get3A_10] : memref<1000x128xf32, #tpu.memory_space<vmem>>, vector<1000x128xf32>
    %get3A_12 = arith.constant 256 : index
    %get3A_13 = arith.constant 0 : index
    %get3A_14 = vector.load %arg3[%get3A_12, %get3A_13] : memref<384x128xf32, #tpu.memory_space<vmem>>, vector<128x128xf32>
    %dot_general3A = arith.constant dense<0.000000e+00> : vector<1000x128xf32>
    %dot_general3A_15 = tpu.matmul %add3A, %get3A_14, %dot_general3A {dimension_numbers = #tpu.dot_dimension_numbers<[1], [0], [0], [1], [0, 0, 1, 1], [], []>, transpose_lhs_hint = false} : vector<1000x128xf32>, vector<128x128xf32>, vector<1000x128xf32> -> vector<1000x128xf32>
    %add3A_16 = arith.addf %get3A_11, %dot_general3A_15 : vector<1000x128xf32>
    %max3A = arith.constant 0.000000e+00 : f32
    %max3A_17 = vector.broadcast %max3A : f32 to vector<1000x128xf32>
    %max3A_18 = arith.maximumf %add3A_16, %max3A_17 : vector<1000x128xf32>
    %get3A_19 = arith.constant 0 : index
    %get3A_20 = arith.constant 0 : index
    %get3A_21 = vector.load %arg4[%get3A_19, %get3A_20] : memref<128x128xf32, #tpu.memory_space<vmem>>, vector<128x128xf32>
    %dot_general3A_22 = arith.constant dense<0.000000e+00> : vector<1000x128xf32>
    %dot_general3A_23 = tpu.matmul %max3A_18, %get3A_21, %dot_general3A_22 {dimension_numbers = #tpu.dot_dimension_numbers<[1], [0], [0], [1], [0, 0, 1, 1], [], []>, transpose_lhs_hint = false} : vector<1000x128xf32>, vector<128x128xf32>, vector<1000x128xf32> -> vector<1000x128xf32>
    %get3A_24 = arith.constant 0 : index
    %get3A_25 = arith.constant 0 : index
    %get3A_26 = vector.load %arg5[%get3A_24, %get3A_25] : memref<1x128xf32, #tpu.memory_space<vmem>>, vector<1x128xf32>
    %add3A_27 = vector.broadcast %get3A_26 : vector<1x128xf32> to vector<1000x128xf32>
    %add3A_28 = arith.addf %dot_general3A_23, %add3A_27 : vector<1000x128xf32>
    %max3A_29 = arith.constant 0.000000e+00 : f32
    %max3A_30 = vector.broadcast %max3A_29 : f32 to vector<1000x128xf32>
    %max3A_31 = arith.maximumf %add3A_28, %max3A_30 : vector<1000x128xf32>
    %swap3A = arith.constant 0 : index
    %swap3A_32 = arith.constant 0 : index
    %swap3A_33 = vector.load %arg6[%swap3A, %swap3A_32] : memref<1000x128xf32, #tpu.memory_space<vmem>>, vector<1000x128xf32>
    tpu.vector_store %arg6[%swap3A, %swap3A_32], %max3A_31 {strides = array<i32>} : memref<1000x128xf32, #tpu.memory_space<vmem>>, vector<1000x128xf32>,
    return
  }
  func.func @transform_0(%arg0: i32) -> (i32, i32) {
    %c0_i32 = arith.constant 0 : i32
    %c0_i32_0 = arith.constant 0 : i32
    return %arg0, %c0_i32 : i32, i32
  }
  func.func @transform_1(%arg0: i32) -> (i32, i32, i32) {
    %c0_i32 = arith.constant 0 : i32
    %c0_i32_0 = arith.constant 0 : i32
    %c0_i32_1 = arith.constant 0 : i32
    return %c0_i32, %arg0, %c0_i32_0 : i32, i32, i32
  }
  func.func @transform_2(%arg0: i32) -> (i32, i32) {
    %c0_i32 = arith.constant 0 : i32
    %c0_i32_0 = arith.constant 0 : i32
    %c0_i32_1 = arith.constant 0 : i32
    return %c0_i32, %c0_i32_0 : i32, i32
  }
  func.func @transform_3(%arg0: i32) -> (i32, i32) {
    %c0_i32 = arith.constant 0 : i32
    %c0_i32_0 = arith.constant 0 : i32
    %c0_i32_1 = arith.constant 0 : i32
    return %c0_i32, %c0_i32_0 : i32, i32
  }
  func.func @transform_4(%arg0: i32) -> (i32, i32) {
    %c0_i32 = arith.constant 0 : i32
    %c0_i32_0 = arith.constant 0 : i32
    %c0_i32_1 = arith.constant 0 : i32
    return %c0_i32, %c0_i32_0 : i32, i32
  }
  func.func @transform_5(%arg0: i32) -> (i32, i32) {
    %c0_i32 = arith.constant 0 : i32
    %c0_i32_0 = arith.constant 0 : i32
    return %arg0, %c0_i32 : i32, i32
  }
}

</mosaic_0001>

<sc_bundles>
// kernel: kernel.5.cloned.1.call-start
scs
__scs_entry_jumppad:
0x0: {  	(pc) =	sbr.rel $0x88, $3  }
0x1: {  	(tag) =	ssettag $0x0;
	lr =	simm.s32 $0x1  }
0x2: {  	[smem:$0x3F99] =	sst lr;
	_ =	strace $0xD0000000  }
0x3: {  	_ = 	snop  }
0x4: {  	_ = 	snop  }
0x5: {  	_ = 	snop  }
0x6: {  	_ = 	snop  }
0x7: {  	_ = 	snop  }
__scs_overlays_trampoline_lowered:
0x8: {  	[smem:$0x3FA8] =	sst s0  }
0x9: {  	[smem:$0x3FA9] =	sst s1  }
0xa: {  	[smem:$0x3FAA] =	sst s2  }
0xb: {  	[smem:$0x3FAB] =	sst s3  }
0xc: {  	[smem:$0x3FAC] =	sst s4  }
0xd: {  	[smem:$0x3FAD] =	sst s5  }
0xe: {  	[smem:$0x3FAE] =	sst s6  }
0xf: {  	[smem:$0x3FAF] =	sst s7  }
0x10: {  	[smem:$0x3FB0] =	sst s8  }
0x11: {  	[smem:$0x3FB1] =	sst s9;
	s0 =	simm.s32 @!p0 $0x0  }
0x12: {  	s1 =	sld [smem:$0x3F97];
	s0 =	simm.s32 @p0 $0x1  }
0x13: {  	[smem:$0x3FB2] =	sst s0;
	s0 =	simm.s32 @!p1 $0x0  }
0x14: {  	s2 =	sld [smem:$0x3F96];
	s0 =	simm.s32 @p1 $0x1  }
0x15: {  	[smem:$0x3FB3] =	sst s0;
	s0 =	simm.s32 @!p2 $0x0  }
0x16: {  	s3 =	sld [smem:$0x3FDB];
	s0 =	simm.s32 @p2 $0x1  }
0x17: {  	s4 =	simm.s32 $0x1BF5;
	[smem:$0x3FB5] =	sst s0  }
0x18: {  	s0 =	sld [smem:$0x3F98];
	_ =	swait.ge [sflag:s4], $0x0  }
0x19: {  	s7 =	sld [smem:$0x3F99]  }
0x1a: {  	s8 =	sadd.s32 $0xFFFFE003, lr  }
0x1b: {  	s9 =	sadd.s32 $0xFFFFFEF7, lr;
	s5 =	simm.s32 $0xFFFFFFFF;
	p2 =	slt.u32 s8, $0xFFFFF086  }
0x1c: {  	p1 =	slt.u32 s9, $0xF7A;
	s5 =	simm.s32 @!p2 $0x0  }
0x1d: {  	s5 =	simm.s32 @p1 $0x1;
	p0 =	seq.s32 s7, s2  }
0x1e: {  	s7 =	smul.u32 @!p0 $0xF7A, s2;
	p2 =	seq.s32 @!p0 s5, $0x0  }
0x1f: {  	s9 =	smul.u32 $0xF7A, s1;
	s8 =	simm.s32 @!p0 $0x1BF5;
	p2 =	por !p2, p0  }
0x20: {  	[sflag:s8] =	ssyncset.s32 @!p0 $0xFFFFF086;
	s6 =	sadd.s32 @!p0 s3, s7;
	s7 =	simm.s32 @!p0 $0x108  }
0x21: {  	s3 =	sadd.s32 s3, s9;
	s6 =	sadd.s32 @!p0 $0x88, s6;
	s7 =	simm.s32 @p2 $0x1082  }
0x22: {  	[simem:s7], [sflag:s8] =	dma.local @!p0 [hbm:s6], $0xF7A  }
0x23: {  	s9 =	sor.u32 $0xD0000000, s2;
	s6 =	simm.s32 $0x108;
	_ =	swait.ge @!p0 [sflag:s8], $0x0  }
0x24: {  	s3 =	sadd.s32 $0x88, s3;
	s6 =	simm.s32 @!p1 $0x1082;
	[sflag:s4] =	ssyncset.s32 $0xFFFFF086  }
0x25: {  	[simem:s6], [sflag:s4] =	dma.local [hbm:s3], $0xF7A  }
0x26: {  	[smem:$0x3F99] =	sst s1;
	(tag) =	ssettag s2;
	_ =	strace s9  }
0x27: {  	s1 =	sld [smem:$0x3FA9]  }
0x28: {  	s2 =	sld [smem:$0x3FAA]  }
0x29: {  	s4 =	sld [smem:$0x3FAC]  }
0x2a: {  	p0 =	seq.s32 s5, $0x0;
	s5 =	sld [smem:$0x3FAD]  }
0x2b: {  	s6 =	sld [smem:$0x3FAE]  }
0x2c: {  	s7 =	sld [smem:$0x3FAF]  }
0x2d: {  	s3 =	simm.s32 $0x108;
	s8 =	sld [smem:$0x3FB0]  }
0x2e: {  	s3 =	simm.s32 @!p0 $0x1082;
	s9 =	sld [smem:$0x3FB1]  }
0x2f: {  	lr =	sadd.s32 s0, s3;
	s0 =	sld [smem:$0x3FA8]  }
0x30: {  	s3 =	sld [smem:$0x3FAB]  }
0x31: {  	[smem:$0x3FB4] =	sst s10  }
0x32: {  	s10 =	sld [smem:$0x3FB2];
	_ =	sdelay $0x3  }
0x33: {  	p0 =	seq.s32 s10, $0x1;
	s10 =	sld [smem:$0x3FB4];
	_ =	sdelay $0x3  }
0x34: {  	[smem:$0x3FB4] =	sst s10  }
0x35: {  	s10 =	sld [smem:$0x3FB3];
	_ =	sdelay $0x3  }
0x36: {  	p1 =	seq.s32 s10, $0x1;
	s10 =	sld [smem:$0x3FB4];
	_ =	sdelay $0x3  }
0x37: {  	[smem:$0x3FB4] =	sst s10  }
0x38: {  	s10 =	sld [smem:$0x3FB5]  }
0x39: {  	_ = 	snop;
	(pc) =	sbr.ind lr, $3  }
0x3a: {  	_ = 	snop  }
0x3b: {  	_ = 	snop  }
0x3c: {  	p2 =	seq.s32 s10, $0x1;
	s10 =	sld [smem:$0x3FB4]  }
0x3d: {  	_ =	shalt  }
0x3e: {  	_ =	shalt  }
0x3f: {  	_ =	shalt  }
0x40: {  	_ =	shalt  }
0x41: {  	_ =	shalt  }
0x42: {  	_ =	shalt  }
0x43: {  	_ =	shalt  }
0x44: {  	_ =	shalt  }
0x45: {  	_ =	shalt  }
0x46: {  	_ =	shalt  }
0x47: {  	_ =	shalt  }
0x48: {  	_ =	shalt  }
0x49: {  	_ =	shalt  }
0x4a: {  	_ =	shalt  }
0x4b: {  	_ =	shalt  }
0x4c: {  	_ =	shalt  }
0x4d: {  	_ =	shalt  }
0x4e: {  	_ =	shalt  }
0x4f: {  	_ =	shalt  }
0x50: {  	_ =	shalt  }
0x51: {  	_ =	shalt  }
0x52: {  	_ =	shalt  }
0x53: {  	_ =	shalt  }
0x54: {  	_ =	shalt  }
0x55: {  	_ =	shalt  }
0x56: {  	_ =	shalt  }
0x57: {  	_ =	shalt  }
0x58: {  	_ =	shalt  }
0x59: {  	_ =	shalt  }
0x5a: {  	_ =	shalt  }
0x5b: {  	_ =	shalt  }
0x5c: {  	_ =	shalt  }
0x5d: {  	_ =	shalt  }
0x5e: {  	_ =	shalt  }
0x5f: {  	_ =	shalt  }
0x60: {  	_ =	shalt  }
0x61: {  	_ =	shalt  }
0x62: {  	_ =	shalt  }
0x63: {  	_ =	shalt  }
0x64: {  	_ =	shalt  }
0x65: {  	_ =	shalt  }
0x66: {  	_ =	shalt  }
0x67: {  	_ =	shalt  }
0x68: {  	_ =	shalt  }
0x69: {  	_ =	shalt  }
0x6a: {  	_ =	shalt  }
0x6b: {  	_ =	shalt  }
0x6c: {  	_ =	shalt  }
0x6d: {  	_ =	shalt  }
0x6e: {  	_ =	shalt  }
0x6f: {  	_ =	shalt  }
0x70: {  	_ =	shalt  }
0x71: {  	_ =	shalt  }
0x72: {  	_ =	shalt  }
0x73: {  	_ =	shalt  }
0x74: {  	_ =	shalt  }
0x75: {  	_ =	shalt  }
0x76: {  	_ =	shalt  }
0x77: {  	_ =	shalt  }
0x78: {  	_ =	shalt  }
0x79: {  	_ =	shalt  }
0x7a: {  	_ =	shalt  }
0x7b: {  	_ =	shalt  }
0x7c: {  	_ =	shalt  }
0x7d: {  	_ =	shalt  }
0x7e: {  	_ =	shalt  }
0x7f: {  	_ =	shalt  }
0x80: {  	_ =	shalt  }
0x81: {  	_ =	shalt  }
0x82: {  	_ =	shalt  }
0x83: {  	_ =	shalt  }
0x84: {  	_ =	shalt  }
0x85: {  	_ =	shalt  }
0x86: {  	_ =	shalt  }
0x87: {  	_ =	shalt  }
.Lfunc_end0:
.L_simem_size_0:
called_computation_lowered:
.L_overlay_start_0:
0x88: {  	s2 =	sld [smem:$0x3FD9]  }
0x89: {  	s3 =	sld [smem:$0x3FFE];
	_ =	sdelay $0x1  }
0x8a: {  	s1 =	srdreg.scid  }
0x8b: {  	s0 =	sand.u32 $0x1, s1  }
0x8c: {  	s17 =	sshll.u32 s0, $0xA;
	s2 =	sadd.s32 s3, s2  }
0x8d: {  	s2 =	sadd.s32 s2, s17  }
0x8e: {  	[smem:$0x3FC0] =	sst s2  }
0x8f: {  	_ = 	snop  }
0x90: {  	s2 =	sld [smem:$0x3FC8]  }
0x91: {  	s18 =	sld [smem:$0x3FC7]  }
0x92: {  	s4 =	sld [smem:$0x3FD0];
	(tm) =	ssettm $0x1  }
0x93: {  	s5 =	sld [smem:$0x3FFB];
	_ =	sdelay $0x3  }
0x94: {  	_ =	strace s5  }
0x95: {  	s5 =	sld [smem:$0x3FFC];
	_ =	sdelay $0x3  }
0x96: {  	_ =	strace s5  }
0x97: {  	s5 =	sld [smem:$0x3FFD];
	_ =	sdelay $0x3  }
0x98: {  	_ =	strace s5  }
0x99: {  	_ =	strace $0x8FFFFFFF  }
0x9a: {  	s19 =	sld [smem:$0x3FDB];
	_ =	sdelay $0x1  }
0x9b: {  	s6 =	simm.s32 $_scs_section_size  }
0x9c: {  	s7 =	simm.s32 $_size__tile_overlayer_lowered;
	s8 =	simm.s32 $_tile_overlayer_lowered  }
0x9d: {  	s22 =	simm.s32 $0x1BFF;
	s21 =	sshll.u32 s8, $0x1;
	s5 =	sadd.s32 s6, s19  }
0x9e: {  	s9 =	simm.s32 $0x0;
	s20 =	sshll.u32 s7, $0x1;
	s7 =	sadd.s32 s21, s5  }
0x9f: {  	[timem:s9], [sflag:s22] =	dma.local [hbm:s7], s20  }
0xa0: {  	_ =	swait.ge [sflag:s22], s20  }
0xa1: {  	s6 =	ssub.s32 $0x0, s20;
	[sflag:s22] =	ssyncset.done $0x0  }
0xa2: {  	[sflag:s22] =	ssyncadd.s32 s6;
	_ =	sdelay $0x1  }
0xa3: {  	s23 =	simm.s32 $0x1B8B  }
0xa4: {  	_ =	swait.ge [sflag:s23], $0x1  }
0xa5: {  	[sflag:s23] =	ssyncset.done $0x0  }
0xa6: {  	s25 =	simm.s32 $0x1B8E;
	s24 =	sld [smem:$0x3FFE];
	[sflag:s23] =	ssyncadd.s32 $0xFFFFFFFF  }
0xa7: {  	s26 =	simm.s32 $execute0_lowered;
	[smem:$0x3FD2] =	sst s25  }
0xa8: {  	s7 =	sshll.u32 s26, $0x1;
	_ =	strace $0x80000046;
	[dreg:$0x1] =	wrdreg $0xFFFFFFFF  }
0xa9: {  	s28 =	simm.s32 $_size_execute0_lowered;
	s5 =	sadd.s32 s5, s7;
	[dreg:$0x0] =	wrdreg $0x0  }
0xaa: {  	s7 =	sshll.u32 s28, $0x1;
	[dreg:$0x2] =	wrdreg s5  }
0xab: {  	[dreg:$0x3] =	wrdreg s7  }
0xac: {  	[dreg:$0x4] =	wrdreg $0xC0  }
0xad: {  	_ =	task [dreg:s9], $0x5FFFF  }
0xae: {  	[dreg:$0x1] =	wrdreg $0xFFFFFFFF  }
0xaf: {  	[dreg:$0x0] =	wrdreg $0x60  }
0xb0: {  	[dreg:$0x2] =	wrdreg s2  }
0xb1: {  	[dreg:$0x3] =	wrdreg s18  }
0xb2: {  	[dreg:$0x4] =	wrdreg s4  }
0xb3: {  	[dreg:$0x5] =	wrdreg s24  }
0xb4: {  	[dreg:$0x6] =	wrdreg $0x0  }
0xb5: {  	[dreg:$0x7] =	wrdreg $0x9  }
0xb6: {  	_ =	task.clear_ibuf [dreg:s9], $0x8FFFF;
	_ =	strace $0x90000046  }
0xb7: {  	s29 =	simm.s32 $0x9;
	_ =	strace $0x80000048  }
0xb8: {  	_ =	swait.ge [sflag:s29], $0x1  }
0xb9: {  	[sflag:s29] =	ssyncadd.s32 $0xFFFFFFFF  }
0xba: {  	_ =	strace $0x90000048  }
0xbb: {  	_ =	sfence  }
0xbc: {  	s30 =	sld [smem:$0x0];
	_ =	sdelay $0x2  }
0xbd: {  	s31 =	sshll.u32 s1, $0xD;
	s1 =	sshrl.u32 s1, $0x2  }
0xbe: {  	s3 =	sand.u32 $0x4000, s31;
	s1 =	sadd.s32 s1, s30  }
0xbf: {  	s0 =	sor.u32 s3, s0;
	s1 =	sshll.u32 s1, $0x11  }
0xc0: {  	s0 =	sor.u32 s1, s0  }
0xc1: {  	s0 =	sadd.s32 $0x8F2B, s0  }
0xc2: {  	[sflag:s0] =	ssyncadd.remote.s32 $0x1  }
0xc3: {  	_ =	sfence.sel $0xFFFF  }
0xc4: {  	[dreg:$0x0] =	wrdreg $0xFFFFFFFF;
	(pc) =	sbr.abs _section_cstart, $3  }
0xc5: {  	[dreg:$0x1] =	wrdreg $0xFFFFFFFF  }
0xc6: {  	_ =	task.clear_ibuf [dreg:s9], $0x2FFFF;
	_ =	strace $0x9FFFFFFF  }
0xc7: {  	(tm) =	ssettm $0x7FFFFFFF  }
tec
execute0_lowered:
.L_overlay_start_1:
0x0: {  	(tag) =	ssettag $0x1  }
0x1: {  	s1 =	rddreg [dreg:$0x0]  }
0x2: {  	s0 =	rddreg [dreg:$0x1]  }
0x3: {  	s4 =	rddreg [dreg:$0x2]  }
0x4: {  	s5 =	rddreg [dreg:$0x3]  }
0x5: {  	s2 =	rddreg [dreg:$0x4]  }
0x6: {  	s3 =	simm.s32 $0x0;
	s6 =	srdreg.scid;
	s15 =	stileid.u32  }
0x7: {  	s28 =	simm.s32 $0x1F880;
	s29 =	simm.s32 $0x17880;
	s30 =	simm.s32 $0x1F980  }
0x8: {  	s31 =	simm.s32 $0x1B880;
	[smem:$0x7FF] =	sst s3;
	s9 =	smul.u32 $0x4E000, s15  }
0x9: {  	s5 =	sadd.s32 $0x1200, s5;
	s6 =	sand.u32 $0x1, s6;
	s11 =	smul.u32 $0x13800, s15  }
0xa: {  	s19 =	sshll.u32 s15, $0x6;
	s13 =	sadd.s32 $0x138000, s2;
	p0 =	sne.s32 s15, $0xF  }
0xb: {  	_ =	strace $0x80000047;
	s7 =	ssub.s32 $0x2, s6;
	s8 =	sshll.u32 s6, $0x4  }
0xc: {  	[dreg:$0x8] =	wrdreg s13;
	s13 =	sshll.u32 s15, $0x7;
	s8 =	sor.u32 s15, s8  }
0xd: {  	s10 =	sshrl.u32 s7, $0x1;
	s17 =	sshrl.u32 s9, $0x2;
	s12 =	smul.u32 $0x2700, s8  }
0xe: {  	s18 =	sshrl.u32 s11, $0x3;
	s9 =	sor.u32 $0x4E000, s13;
	s20 =	smul.u32 $0x27000, s8  }
0xf: {  	s10 =	ssub.s32 s7, s10;
	s7 =	sadd.s32 s17, s2;
	s21 =	smul.u32 $0x9C0, s8  }
0x10: {  	s16 =	sshll.u32 s9, $0x4;
	s17 =	smul.u32 $0x270000, s6;
	s9 =	sshrl.u32 s9, $0x2  }
0x11: {  	p1 =	sgt.u32 s8, $0x3;
	s8 =	simm.s32 $0x2;
	[dreg:$0x6] =	wrdreg s7  }
0x12: {  	s7 =	sadd.s32 s4, s18;
	s4 =	sadd.s32 $0x27000, s4;
	s18 =	smul.u32 $0x2700, s15  }
0x13: {  	[dreg:$0x7] =	wrdreg s7;
	s7 =	sor.u32 $0x1C04, s19;
	s14 =	sor.u32 $0x80, s12  }
0x14: {  	[dreg:$0x9] =	wrdreg s4;
	s22 =	sadd.s32 s0, s20;
	s24 =	sadd.s32 s1, s21  }
0x15: {  	s26 =	sadd.s32 $0x100, s12;
	s19 =	smul.u32 $0x27000, s15;
	s20 =	sadd.s32 s1, s9  }
0x16: {  	s9 =	simm.s32 $0x1FA00;
	[dreg:$0xa] =	wrdreg s22;
	s23 =	sshll.u32 s14, $0x4  }
0x17: {  	[dreg:$0xb] =	wrdreg s24;
	s25 =	sshrl.u32 s14, $0x2;
	s12 =	sshll.u32 s26, $0x4  }
0x18: {  	s14 =	smul.u32 $0x138800, s6;
	[dreg:$0x12] =	wrdreg s20;
	s24 =	smax.u32 s10, $0x1  }
0x19: {  	s6 =	smul.u32 $0x27000, s6;
	s4 =	sadd.s32 s0, s23;
	[dreg:$0x14] =	wrdreg s24  }
0x1a: {  	s10 =	simm.s32 $0x3;
	s12 =	sadd.s32 s0, s12;
	[dreg:$0xc] =	wrdreg s4  }
0x1b: {  	s4 =	sadd.s32 s1, s25;
	[dreg:$0xe] =	wrdreg s12;
	s12 =	sadd.s32 s0, s16  }
0x1c: {  	s11 =	sadd.s32 s11, s14;
	s13 =	sshrl.u32 s14, $0x3;
	s0 =	sadd.s32 s17, s0  }
0x1d: {  	s21 =	sadd.s32 s18, s6;
	[dreg:$0xd] =	wrdreg s4;
	s4 =	sshrl.u32 s26, $0x2  }
0x1e: {  	[dreg:$0xf] =	wrdreg s12;
	s11 =	sshrl.u32 s11, $0x3;
	s19 =	sadd.s32 s19, s0  }
0x1f: {  	s22 =	sadd.s32 $0x280, s21;
	s6 =	sadd.s32 $0x200, s21;
	s26 =	sadd.s32 $0x180, s21  }
0x20: {  	s12 =	simm.s32 $0x0;
	s11 =	sadd.s32 s5, s11;
	s5 =	sadd.s32 s5, s13  }
0x21: {  	s4 =	sadd.s32 s1, s4;
	s0 =	sshrl.u32 s22, $0x2;
	[dreg:$0x16] =	wrdreg s26  }
0x22: {  	s23 =	sshrl.u32 s6, $0x2;
	s26 =	simm.s32 $0x13880;
	[dreg:$0x10] =	wrdreg s11  }
0x23: {  	s6 =	simm.s32 $0x1F900;
	[dreg:$0x11] =	wrdreg s4;
	s5 =	sadd.s32 $0x27000, s5  }
0x24: {  	s20 =	sadd.s32 s0, s1;
	s25 =	sadd.s32 s23, s1;
	s0 =	simm.s32 $0x1FA80  }
0x25: {  	s4 =	simm.s32 $0x1;
	s11 =	simm.s32 $0x1FB00;
	[dreg:$0x13] =	wrdreg s5  }
0x26: {  	[dreg:$0x15] =	wrdreg s25;
	s25 =	simm.s32 $0x4;
	s5 =	simm.s32 $0x80  }
.LBB2_1:
0x27: {  	s13 =	rddreg [dreg:$0x6]  }
0x28: {  	s14 =	rddreg [dreg:$0x7];
	s13 =	sshrl.u32 s13, $0x3  }
0x29: {  	[spmem:s13], [sflag:s7] =	dma.local [hbm:s14], $0x2700  }
0x2a: {  	_ =	swait.ge [sflag:s25], $0x2700  }
0x2b: {  	[sflag:s25] =	ssyncset.done $0x0;
	s14 =	rddreg [dreg:$0x8]  }
0x2c: {  	s15 =	rddreg [dreg:$0x9];
	[sflag:s25] =	ssyncadd.s32 $0xFFFFD900;
	s14 =	sshrl.u32 @!p0 s14, $0x3  }
0x2d: {  	[spmem:s14], [sflag:s7] =	dma.local @!p0 [hbm:s15], $0x100  }
0x2e: {  	s15 =	simm.s32 @!p0 $0x4  }
0x2f: {  	_ =	swait.ge @!p0 [sflag:s15], $0x100  }
0x30: {  	[sflag:s15] =	ssyncset.done @!p0 $0x0  }
0x31: {  	[sflag:s15] =	ssyncadd.s32 @!p0 $0xFFFFFF00  }
0x32: {  	[bflag:$0x0] =	sbarrier.arrive $0xFFFF  }
0x33: {  	s22 =	rddreg [dreg:$0xa]  }
0x34: {  	[tilespmem:s26], [sflag:$0x1] =	stream.linear.gather [hbm4b:s22+s3], $0x4000, $0x38;
	[tilespmem:$0x1FB80] =	vst v63  }
0x35: {  	s23 =	rddreg [dreg:$0xb]  }
0x36: {  	[tilespmem:s28], [sflag:$0x1] =	stream.linear.gather [hbm4b:s23+s3], $0x100, $0x38;
	[tilespmem:$0x1FB80] =	vst v63  }
0x37: {  	s24 =	rddreg [dreg:$0xc]  }
0x38: {  	[tilespmem:s29], [sflag:$0x2] =	stream.linear.gather [hbm4b:s24+s3], $0x4000, $0x38;
	[tilespmem:$0x1FB80] =	vst v63  }
0x39: {  	s16 =	rddreg [dreg:$0xd]  }
0x3a: {  	[tilespmem:s30], [sflag:$0x2] =	stream.linear.gather [hbm4b:s16+s3], $0x100, $0x38;
	[tilespmem:$0x1FB80] =	vst v63  }
0x3b: {  	s17 =	rddreg [dreg:$0xe]  }
0x3c: {  	[tilespmem:s31], [sflag:$0x3] =	stream.linear.gather [hbm4b:s17+s3], $0x4000, $0x38;
	[tilespmem:$0x1FB80] =	vst v63  }
0x3d: {  	s18 =	rddreg [dreg:$0x11]  }
0x3e: {  	[tilespmem:s0], [sflag:$0x3] =	stream.linear.gather [hbm4b:s18+s3], $0x100, $0x38;
	[tilespmem:$0x1FB80] =	vst v63  }
0x3f: {  	_ =	swait.ge [sflag:s4], $0x4000  }
0x40: {  	[sflag:s4] =	ssyncset.done $0x0  }
0x41: {  	[sflag:s4] =	ssyncadd.s32 $0xFFFFC000  }
0x42: {  	_ =	swait.ge [sflag:s4], $0x100  }
0x43: {  	[sflag:s4] =	ssyncset.done $0x0  }
0x44: {  	[sflag:s4] =	ssyncadd.s32 $0xFFFFFF00  }
0x45: {  	[spmem:s2] =	stream.indirect.scatter.add.f32 [tilespmem:s26], [sflag:$0x4], $0x80, s6, s5, $0xb8;
	[tilespmem:$0x1FB80] =	vst v63  }
0x46: {  	_ =	swait.ge [sflag:s25], $0x4000  }
0x47: {  	s21 =	sadd.s32 $0x0, s19;
	[sflag:s25] =	ssyncset.done $0x0;
	s18 =	rddreg [dreg:$0x16]  }
0x48: {  	s16 =	sadd.s32 $0x1800, s21;
	[sflag:s25] =	ssyncadd.s32 $0xFFFFC000;
	s17 =	sshrl.u32 s18, $0x2  }
0x49: {  	[tilespmem:s26], [sflag:$0x1] =	stream.linear.gather [hbm4b:s16+s3], $0x4000, $0x38;
	[tilespmem:$0x1FB80] =	vst v63  }
0x4a: {  	s22 =	sadd.s32 s1, s17  }
0x4b: {  	[tilespmem:s28], [sflag:$0x1] =	stream.linear.gather [hbm4b:s22+s3], $0x100, $0x38;
	[tilespmem:$0x1FB80] =	vst v63  }
0x4c: {  	_ =	swait.ge [sflag:s8], $0x4000  }
0x4d: {  	[sflag:s8] =	ssyncset.done $0x0  }
0x4e: {  	[sflag:s8] =	ssyncadd.s32 $0xFFFFC000  }
0x4f: {  	_ =	swait.ge [sflag:s8], $0x100  }
0x50: {  	[sflag:s8] =	ssyncset.done $0x0  }
0x51: {  	[sflag:s8] =	ssyncadd.s32 $0xFFFFFF00  }
0x52: {  	[spmem:s2] =	stream.indirect.scatter.add.f32 [tilespmem:s29], [sflag:$0x4], $0x80, s9, s5, $0xb8;
	[tilespmem:$0x1FB80] =	vst v63  }
0x53: {  	_ =	swait.ge [sflag:s25], $0x4000  }
0x54: {  	[sflag:s25] =	ssyncset.done $0x0  }
0x55: {  	s23 =	sadd.s32 $0x2000, s21;
	[sflag:s25] =	ssyncadd.s32 $0xFFFFC000  }
0x56: {  	[tilespmem:s29], [sflag:$0x2] =	stream.linear.gather [hbm4b:s23+s3], $0x4000, $0x38;
	[tilespmem:$0x1FB80] =	vst v63  }
0x57: {  	s24 =	rddreg [dreg:$0x15]  }
0x58: {  	[tilespmem:s30], [sflag:$0x2] =	stream.linear.gather [hbm4b:s24+s3], $0x100, $0x38;
	[tilespmem:$0x1FB80] =	vst v63  }
0x59: {  	_ =	swait.ge [sflag:s10], $0x4000  }
0x5a: {  	[sflag:s10] =	ssyncset.done $0x0  }
0x5b: {  	[sflag:s10] =	ssyncadd.s32 $0xFFFFC000  }
0x5c: {  	_ =	swait.ge [sflag:s10], $0x100  }
0x5d: {  	[sflag:s10] =	ssyncset.done $0x0  }
0x5e: {  	[sflag:s10] =	ssyncadd.s32 $0xFFFFFF00  }
0x5f: {  	[spmem:s2] =	stream.indirect.scatter.add.f32 [tilespmem:s31], [sflag:$0x4], $0x80, s11, s5, $0xb8;
	[tilespmem:$0x1FB80] =	vst v63  }
0x60: {  	_ =	swait.ge [sflag:s25], $0x4000  }
0x61: {  	s15 =	sadd.s32 $0x2800, s21;
	[sflag:s25] =	ssyncset.done $0x0  }
0x62: {  	s18 =	sadd.s32 $0x180, s18;
	s16 =	sadd.s32 $0x60, s20;
	[sflag:s25] =	ssyncadd.s32 $0xFFFFC000  }
0x63: {  	[tilespmem:s31], [sflag:$0x3] =	stream.linear.gather [hbm4b:s15+s3], $0x4000, $0x38;
	[tilespmem:$0x1FB80] =	vst v63  }
0x64: {  	s22 =	smov.u32 s20;
	s17 =	sadd.s32 $0x60, s24;
	s15 =	simm.s32 $0x1800  }
.LBB2_2:
0x65: {  	[tilespmem:s0], [sflag:$0x3] =	stream.linear.gather [hbm4b:s22+s3], $0x100, $0x38;
	[tilespmem:$0x1FB80] =	vst v63  }
0x66: {  	s21 =	smov.u32 s15;
	s22 =	smov.u32 s16  }
0x67: {  	p2 =	sne.s32 s15, $0x24000;
	s15 =	sadd.s32 $0x1800, s15;
	_ =	swait.ge [sflag:s4], $0x4000  }
0x68: {  	[sflag:s4] =	ssyncset.done $0x0  }
0x69: {  	[sflag:s4] =	ssyncadd.s32 $0xFFFFC000  }
0x6a: {  	_ =	swait.ge [sflag:s4], $0x100  }
0x6b: {  	[sflag:s4] =	ssyncset.done $0x0  }
0x6c: {  	[sflag:s4] =	ssyncadd.s32 $0xFFFFFF00  }
0x6d: {  	[spmem:s2] =	stream.indirect.scatter.add.f32 [tilespmem:s26], [sflag:$0x4], $0x80, s6, s5, $0xb8;
	[tilespmem:$0x1FB80] =	vst v63  }
0x6e: {  	_ =	swait.ge [sflag:s25], $0x4000  }
0x6f: {  	s21 =	sadd.s32 s21, s19;
	[sflag:s25] =	ssyncset.done $0x0  }
0x70: {  	s24 =	sshrl.u32 s18, $0x2;
	s23 =	sadd.s32 $0x1800, s21;
	[sflag:s25] =	ssyncadd.s32 $0xFFFFC000  }
0x71: {  	[tilespmem:s26], [sflag:$0x1] =	stream.linear.gather [hbm4b:s23+s3], $0x4000, $0x38;
	[tilespmem:$0x1FB80] =	vst v63  }
0x72: {  	s23 =	sadd.s32 s1, s24  }
0x73: {  	[tilespmem:s28], [sflag:$0x1] =	stream.linear.gather [hbm4b:s23+s3], $0x100, $0x38;
	[tilespmem:$0x1FB80] =	vst v63  }
0x74: {  	_ =	swait.ge [sflag:s8], $0x4000  }
0x75: {  	[sflag:s8] =	ssyncset.done $0x0  }
0x76: {  	[sflag:s8] =	ssyncadd.s32 $0xFFFFC000  }
0x77: {  	_ =	swait.ge [sflag:s8], $0x100  }
0x78: {  	[sflag:s8] =	ssyncset.done $0x0  }
0x79: {  	[sflag:s8] =	ssyncadd.s32 $0xFFFFFF00  }
0x7a: {  	[spmem:s2] =	stream.indirect.scatter.add.f32 [tilespmem:s29], [sflag:$0x4], $0x80, s9, s5, $0xb8;
	[tilespmem:$0x1FB80] =	vst v63  }
0x7b: {  	_ =	swait.ge [sflag:s25], $0x4000  }
0x7c: {  	[sflag:s25] =	ssyncset.done $0x0  }
0x7d: {  	s23 =	sadd.s32 $0x2000, s21;
	[sflag:s25] =	ssyncadd.s32 $0xFFFFC000  }
0x7e: {  	[tilespmem:s29], [sflag:$0x2] =	stream.linear.gather [hbm4b:s23+s3], $0x4000, $0x38;
	[tilespmem:$0x1FB80] =	vst v63  }
0x7f: {  	_ = 	snop  }
0x80: {  	[tilespmem:s30], [sflag:$0x2] =	stream.linear.gather [hbm4b:s17+s3], $0x100, $0x38;
	[tilespmem:$0x1FB80] =	vst v63  }
0x81: {  	_ =	swait.ge [sflag:s10], $0x4000  }
0x82: {  	[sflag:s10] =	ssyncset.done $0x0  }
0x83: {  	[sflag:s10] =	ssyncadd.s32 $0xFFFFC000  }
0x84: {  	_ =	swait.ge [sflag:s10], $0x100  }
0x85: {  	[sflag:s10] =	ssyncset.done $0x0  }
0x86: {  	[sflag:s10] =	ssyncadd.s32 $0xFFFFFF00  }
0x87: {  	[spmem:s2] =	stream.indirect.scatter.add.f32 [tilespmem:s31], [sflag:$0x4], $0x80, s11, s5, $0xb8;
	[tilespmem:$0x1FB80] =	vst v63  }
.Ltmp0:
0x88: {  	_ =	swait.ge [sflag:s25], $0x4000;
	(pc) =	sbr.rel @p2 .LBB2_2-.Ltmp0, $4  }
0x89: {  	[sflag:s25] =	ssyncset.done $0x0  }
0x8a: {  	s21 =	sadd.s32 $0x2800, s21;
	[sflag:s25] =	ssyncadd.s32 $0xFFFFC000  }
0x8b: {  	[tilespmem:s31], [sflag:$0x3] =	stream.linear.gather [hbm4b:s21+s3], $0x4000, $0x38;
	[tilespmem:$0x1FB80] =	vst v63  }
0x8c: {  	s16 =	sadd.s32 $0x60, s16;
	s18 =	sadd.s32 $0x180, s18;
	s17 =	sadd.s32 $0x60, s17  }
0x8d: {  	[tilespmem:s0], [sflag:$0x3] =	stream.linear.gather [hbm4b:s22+s3], $0x100, $0x38;
	[tilespmem:$0x1FB80] =	vst v63  }
0x8e: {  	_ =	swait.ge [sflag:s4], $0x4000  }
0x8f: {  	[sflag:s4] =	ssyncset.done $0x0  }
0x90: {  	[sflag:s4] =	ssyncadd.s32 $0xFFFFC000  }
0x91: {  	_ =	swait.ge [sflag:s4], $0x100  }
0x92: {  	[sflag:s4] =	ssyncset.done $0x0  }
0x93: {  	[sflag:s4] =	ssyncadd.s32 $0xFFFFFF00  }
0x94: {  	[spmem:s2] =	stream.indirect.scatter.add.f32 [tilespmem:s26], [sflag:$0x4], $0x80, s6, s5, $0xb8;
	[tilespmem:$0x1FB80] =	vst v63  }
0x95: {  	_ =	swait.ge [sflag:s25], $0x4000  }
0x96: {  	[sflag:s25] =	ssyncset.done $0x0  }
0x97: {  	[sflag:s25] =	ssyncadd.s32 $0xFFFFC000  }
0x98: {  	_ =	swait.ge [sflag:s8], $0x4000  }
0x99: {  	[sflag:s8] =	ssyncset.done $0x0  }
0x9a: {  	[sflag:s8] =	ssyncadd.s32 $0xFFFFC000  }
0x9b: {  	_ =	swait.ge [sflag:s8], $0x100  }
0x9c: {  	[sflag:s8] =	ssyncset.done $0x0  }
0x9d: {  	[sflag:s8] =	ssyncadd.s32 $0xFFFFFF00  }
0x9e: {  	[spmem:s2] =	stream.indirect.scatter.add.f32 [tilespmem:s29], [sflag:$0x4], $0x80, s9, s5, $0xb8;
	[tilespmem:$0x1FB80] =	vst v63  }
0x9f: {  	_ =	swait.ge [sflag:s25], $0x4000  }
0xa0: {  	[sflag:s25] =	ssyncset.done $0x0  }
0xa1: {  	[sflag:s25] =	ssyncadd.s32 $0xFFFFC000  }
0xa2: {  	_ =	swait.ge [sflag:s10], $0x4000  }
0xa3: {  	[sflag:s10] =	ssyncset.done $0x0  }
0xa4: {  	[sflag:s10] =	ssyncadd.s32 $0xFFFFC000  }
0xa5: {  	_ =	swait.ge [sflag:s10], $0x100  }
0xa6: {  	[sflag:s10] =	ssyncset.done $0x0  }
0xa7: {  	[sflag:s10] =	ssyncadd.s32 $0xFFFFFF00  }
0xa8: {  	[spmem:s2] =	stream.indirect.scatter.add.f32 [tilespmem:s31], [sflag:$0x4], $0x80, s11, s5, $0xb8;
	[tilespmem:$0x1FB80] =	vst v63  }
0xa9: {  	_ =	swait.ge [sflag:s25], $0x4000  }
0xaa: {  	s15 =	simm.s32 @!p1 $0x0;
	[sflag:s25] =	ssyncset.done $0x0  }
0xab: {  	s16 =	simm.s32 @!p1 $0x13880;
	s17 =	rddreg [dreg:$0xf];
	[sflag:s25] =	ssyncadd.s32 $0xFFFFC000  }
0xac: {  	[tilespmem:s16], [sflag:$0x1] =	stream.linear.gather @!p1 [hbm4b:s17+s15], $0x4000, $0x38;
	[tilespmem:$0x1FB80] =	vst v63  }
0xad: {  	s18 =	rddreg [dreg:$0x12];
	s17 =	simm.s32 @!p1 $0x1F880  }
0xae: {  	[tilespmem:s17], [sflag:$0x1] =	stream.linear.gather @!p1 [hbm4b:s18+s15], $0x100, $0x38;
	[tilespmem:$0x1FB80] =	vst v63  }
0xaf: {  	s15 =	simm.s32 @!p1 $0x1  }
0xb0: {  	_ =	swait.ge @!p1 [sflag:s15], $0x4000  }
0xb1: {  	[sflag:s15] =	ssyncset.done @!p1 $0x0  }
0xb2: {  	[sflag:s15] =	ssyncadd.s32 @!p1 $0xFFFFC000  }
0xb3: {  	_ =	swait.ge @!p1 [sflag:s15], $0x100  }
0xb4: {  	[sflag:s15] =	ssyncset.done @!p1 $0x0  }
0xb5: {  	s17 =	simm.s32 @!p1 $0x1F900;
	[sflag:s15] =	ssyncadd.s32 @!p1 $0xFFFFFF00;
	s15 =	simm.s32 @!p1 $0x80  }
0xb6: {  	[spmem:s2] =	stream.indirect.scatter.add.f32 @!p1 [tilespmem:s16], [sflag:$0x4], $0x80, s17, s15, $0xb8;
	[tilespmem:$0x1FB80] =	vst v63  }
0xb7: {  	s15 =	simm.s32 @!p1 $0x4  }
0xb8: {  	_ =	swait.ge @!p1 [sflag:s15], $0x4000  }
0xb9: {  	[sflag:s15] =	ssyncset.done @!p1 $0x0  }
0xba: {  	[sflag:s15] =	ssyncadd.s32 @!p1 $0xFFFFC000  }
0xbb: {  	[bflag:$0x0] =	sbarrier.arrive $0xFFFF  }
0xbc: {  	s23 =	rddreg [dreg:$0x10]  }
0xbd: {  	[hbm:s23], [sflag:s7] =	dma.local [spmem:s13], $0x2700  }
0xbe: {  	_ =	swait.ge [sflag:s25], $0x2700  }
0xbf: {  	[sflag:s25] =	ssyncset.done $0x0  }
0xc0: {  	s13 =	rddreg [dreg:$0x13];
	[sflag:s25] =	ssyncadd.s32 $0xFFFFD900  }
0xc1: {  	[hbm:s13], [sflag:s7] =	dma.local @!p0 [spmem:s14], $0x100  }
0xc2: {  	s13 =	simm.s32 @!p0 $0x4  }
0xc3: {  	_ =	swait.ge @!p0 [sflag:s13], $0x100  }
0xc4: {  	s12 =	sadd.s32 $0x1, s12;
	s24 =	rddreg [dreg:$0x14]  }
0xc5: {  	p2 =	sne.s32 s12, s24  }
.Ltmp1:
0xc6: {  	_ = 	snop;
	(pc) =	sbr.rel @p2 .LBB2_1-.Ltmp1, $3  }
0xc7: {  	_ =	sdelay $0x1  }
0xc8: {  	[sflag:s13] =	ssyncset.done @!p0 $0x0  }
0xc9: {  	[sflag:s13] =	ssyncadd.s32 @!p0 $0xFFFFFF00  }
0xca: {  	_ =	sfence.sel $0x180000  }
0xcb: {  	[bflag:$0x0] =	sbarrier.arrive $0xFFFF  }
0xcc: {  	_ =	strace $0x90000047  }
0xcd: {  	s0 =	stileid.u32;
	[bflag:$0x2] =	sbarrier.arrive $0xFFFF  }
0xce: {  	p0 =	sne.s32 s0, $0x0;
	s0 =	rddreg [dreg:$0x5]  }
0xcf: {  	s0 =	sadd.s32 @!p0 $0x100000, s0  }
0xd0: {  	[sflag:s0] =	ssyncadd.tile.s32 @!p0 $0x1;
	_ =	shalt  }
.Lfunc_end2:
_tile_overlayer_lowered:
.L_overlay_start_2:
0xd1: {  	(tag) =	ssettag $0x2  }
0xd2: {  	s0 =	rddreg [dreg:$0x0];
	s2 =	stileid.u32  }
0xd3: {  	s1 =	rddreg [dreg:$0x1];
	p0 =	sne.s32 s2, $0x0  }
0xd4: {  	s3 =	rddreg [dreg:$0x2];
	[bflag:$0x3] =	sbarrier.arrive $0xFFFF;
	s2 =	simm.s32 @!p0 $0x1C04  }
0xd5: {  	[timem:s3], [sflag:s2] =	dma.local @!p0 [hbm:s0], s1  }
0xd6: {  	s0 =	simm.s32 @!p0 $0x4  }
0xd7: {  	_ =	swait.ge @!p0 [sflag:s0], s1  }
0xd8: {  	s1 =	ssub.s32 @!p0 $0x0, s1;
	[sflag:s0] =	ssyncset.done @!p0 $0x0  }
0xd9: {  	[sflag:s0] =	ssyncadd.s32 @!p0 s1  }
0xda: {  	[bflag:$0x3] =	sbarrier.arrive $0xFFFF  }
0xdb: {  	_ =	shalt  }

</sc_bundles>
